<compile_context>
chip_gen: v7x
topology: tpu7x:2x2x1
jax: 0.10.2.dev20260603
libtpu: 0.0.44.dev20260713+nightly
codegen_flags: <defaults>
</compile_context>

<pallas_src>
import functools

import jax
import jax.numpy as jnp
from jax import lax
from jax.experimental import pallas as pl
from jax.experimental.pallas import tpu as pltpu
from jax.experimental.pallas import tpu_sc as plsc

_N = 10000
_E = 320000
_D = 128
_G = 64
_NC = 2
_NS = 16
_EPT = _E // (_NC * _NS)
_K = 80
_RPW = 632
_BLK = 1000
_NBLK = _N // _BLK

@functools.lru_cache(maxsize=1)
def _sc_mesh():
    return plsc.VectorSubcoreMesh(
        core_axis_name="c", subcore_axis_name="s",
        num_cores=_NC, num_subcores=_NS,
    )



def _sc_aggregate(xs, src, dst, zeros_nd):

    @functools.partial(
        pl.kernel,
        out_type=jax.ShapeDtypeStruct((_NC * _N, _D), jnp.float32),
        mesh=_sc_mesh(),
        scratch_types=[
            pltpu.VMEM((_K,), jnp.int32),
            pltpu.VMEM((_K,), jnp.int32),
            pltpu.VMEM((_K, _D), jnp.float32),
            pltpu.VMEM_SHARED((_N, _D), jnp.float32),
            pltpu.SemaphoreType.DMA,
        ],
    )
    def agg_kernel(xs_hbm, src_hbm, dst_hbm, z_hbm, out_hbm,
                   si_v, di_v, rows_v, acc_sh, sem):
        c = lax.axis_index("c")
        s = lax.axis_index("s")

        row0 = pl.multiple_of(jnp.minimum(s * _RPW, _N - _RPW), 8)
        pltpu.sync_copy(z_hbm.at[pl.ds(row0, _RPW)],
                        acc_sh.at[pl.ds(row0, _RPW)])
        plsc.subcore_barrier()

        base = (c * _NS + s) * _EPT

        @pl.loop(0, _EPT, step=_K)
        def _(j):
            pltpu.sync_copy(src_hbm.at[pl.ds(base + j, _K)], si_v)
            pltpu.sync_copy(dst_hbm.at[pl.ds(base + j, _K)], di_v)
            pltpu.async_copy(xs_hbm.at[si_v], rows_v, sem).wait()
            pltpu.sync_copy(rows_v, acc_sh.at[di_v], add=True)

        plsc.subcore_barrier()
        pltpu.sync_copy(acc_sh.at[pl.ds(row0, _RPW)],
                        out_hbm.at[pl.ds(c * _N + row0, _RPW)])

    return agg_kernel(xs, src, dst, zeros_nd)



def _tc_prep(cnt, x, W1t):

    def body(c0_ref, c1_ref, x_ref, w_ref, dinv_ref, xs_ref):
        deg = c0_ref[:, 0:1] + c1_ref[:, 0:1] + 1.0
        dinv = lax.rsqrt(deg)
        dinv_b = jnp.broadcast_to(dinv, (_BLK, _D))
        dinv_ref[...] = dinv_b
        xs_ref[...] = jnp.dot(x_ref[...], w_ref[...],
                              preferred_element_type=jnp.float32) * dinv_b

    return pl.pallas_call(
        body,
        grid=(_NBLK,),
        in_specs=[
            pl.BlockSpec((_BLK, _D), lambda j: (j, 0)),
            pl.BlockSpec((_BLK, _D), lambda j: (j + _NBLK, 0)),
            pl.BlockSpec((_BLK, _D), lambda j: (j, 0)),
            pl.BlockSpec((_D, _D), lambda j: (0, 0)),
        ],
        out_specs=[
            pl.BlockSpec((_BLK, _D), lambda j: (j, 0)),
            pl.BlockSpec((_BLK, _D), lambda j: (j, 0)),
        ],
        out_shape=[jax.ShapeDtypeStruct((_N, _D), jnp.float32)] * 2,
    )(cnt, cnt, x, W1t)


def _tc_combine(accp, xs, dinv, br, Wt):

    def body(a0_ref, a1_ref, xs_ref, dinv_ref, b_ref, w_ref, out_ref):
        h = (a0_ref[...] + a1_ref[...] + xs_ref[...]) * dinv_ref[...] + b_ref[...]
        h = jnp.maximum(h, 0.0)
        out_ref[...] = jnp.dot(h, w_ref[...],
                               preferred_element_type=jnp.float32) * dinv_ref[...]

    return pl.pallas_call(
        body,
        grid=(_NBLK,),
        in_specs=[
            pl.BlockSpec((_BLK, _D), lambda j: (j, 0)),
            pl.BlockSpec((_BLK, _D), lambda j: (j + _NBLK, 0)),
            pl.BlockSpec((_BLK, _D), lambda j: (j, 0)),
            pl.BlockSpec((_BLK, _D), lambda j: (j, 0)),
            pl.BlockSpec((1, _D), lambda j: (0, 0)),
            pl.BlockSpec((_D, _D), lambda j: (0, 0)),
        ],
        out_specs=pl.BlockSpec((_BLK, _D), lambda j: (j, 0)),
        out_shape=jax.ShapeDtypeStruct((_N, _D), jnp.float32),
    )(accp, accp, xs, dinv, br, Wt)


def _tc_final(accp, xs, dinv, br, batch3d, Wfct, bfcr):

    def body(a0_ref, a1_ref, xs_ref, dinv_ref, b_ref, bat_ref, w_ref,
             bfc_ref, out_ref, sums, cnts):
        j = pl.program_id(0)
        h = (a0_ref[...] + a1_ref[...] + xs_ref[...]) * dinv_ref[...] + b_ref[...]
        h = jnp.maximum(h, 0.0)
        bv = bat_ref[0]
        seg = lax.broadcasted_iota(jnp.int32, (_G, _BLK), 0)
        onehot = (bv == seg).astype(jnp.float32)
        psum = jnp.dot(onehot, h, preferred_element_type=jnp.float32)
        pcnt = jnp.sum(onehot, axis=1, keepdims=True)

        @pl.when(j == 0)
        def _():
            sums[...] = jnp.zeros_like(sums)
            cnts[...] = jnp.zeros_like(cnts)

        sums[...] += psum
        cnts[...] += jnp.broadcast_to(pcnt, (_G, _D))

        @pl.when(j == _NBLK - 1)
        def _():
            pooled = sums[...] / jnp.maximum(cnts[...], 1.0)
            out_ref[...] = jnp.dot(pooled, w_ref[...],
                                   preferred_element_type=jnp.float32) + bfc_ref[...]

    return pl.pallas_call(
        body,
        grid=(_NBLK,),
        in_specs=[
            pl.BlockSpec((_BLK, _D), lambda j: (j, 0)),
            pl.BlockSpec((_BLK, _D), lambda j: (j + _NBLK, 0)),
            pl.BlockSpec((_BLK, _D), lambda j: (j, 0)),
            pl.BlockSpec((_BLK, _D), lambda j: (j, 0)),
            pl.BlockSpec((1, _D), lambda j: (0, 0)),
            pl.BlockSpec((1, 1, _BLK), lambda j: (j, 0, 0)),
            pl.BlockSpec((_D, _D), lambda j: (0, 0)),
            pl.BlockSpec((1, _D), lambda j: (0, 0)),
        ],
        out_specs=pl.BlockSpec((_G, _D), lambda j: (0, 0)),
        out_shape=jax.ShapeDtypeStruct((_G, _D), jnp.float32),
        scratch_shapes=[
            pltpu.VMEM((_G, _D), jnp.float32),
            pltpu.VMEM((_G, _D), jnp.float32),
        ],
    )(accp, accp, xs, dinv, br, batch3d, Wfct, bfcr)



def kernel(x, edge_index, batch, W1, b1, W2, b2, W3, b3, Wfc, bfc):
    src = edge_index[0]
    dst = edge_index[1]
    zeros_nd = jnp.zeros((_N, _D), jnp.float32)
    ones_nd = jnp.ones((_N, _D), jnp.float32)
    batch3d = batch.reshape(_NBLK, 1, _BLK)
    W1t, W2t, W3t, Wfct = W1.T, W2.T, W3.T, Wfc.T
    b1r, b2r, b3r, bfcr = (b.reshape(1, _D) for b in (b1, b2, b3, bfc))

    cnt = _sc_aggregate(ones_nd, src, dst, zeros_nd)
    dinv, xs1 = _tc_prep(cnt, x, W1t)
    acc1 = _sc_aggregate(xs1, src, dst, zeros_nd)
    xs2 = _tc_combine(acc1, xs1, dinv, b1r, W2t)
    acc2 = _sc_aggregate(xs2, src, dst, zeros_nd)
    xs3 = _tc_combine(acc2, xs2, dinv, b2r, W3t)
    acc3 = _sc_aggregate(xs3, src, dst, zeros_nd)
    return _tc_final(acc3, xs3, dinv, b3r, batch3d, Wfct, bfcr)

# --- scband reference (transcript-rebuilt; emitter-appended) ---
"""Pipeline reference for scband-graph-encoder-74981539053912 (READ-ONLY COPY).

The authoritative reference and input builder live on the scoring server;
editing this copy changes nothing except your own understanding.
"""

import jax, jax.numpy as jnp
import numpy as np

N = 10000
E = 320000
D_IN = 128
H1 = 128
H2 = 128
D_OUT = 128
N_GRAPHS = 64


def setup_inputs(seed: int = 0) -> dict:
    key = jax.random.key(seed)
    ks = jax.random.split(key, 12)
    x = jax.random.normal(ks[0], (N, D_IN), dtype=jnp.float32)
    edge_index = jax.random.randint(ks[1], (2, E), 0, N, dtype=jnp.int32)
    batch = jnp.sort(jax.random.randint(ks[2], (N,), 0, N_GRAPHS, dtype=jnp.int32))
    W1 = jax.random.normal(ks[3], (H1, D_IN), dtype=jnp.float32) * (2.0 / D_IN) ** 0.5
    b1 = jnp.zeros((H1,), dtype=jnp.float32)
    W2 = jax.random.normal(ks[4], (H2, H1), dtype=jnp.float32) * (2.0 / H1) ** 0.5
    b2 = jnp.zeros((H2,), dtype=jnp.float32)
    W3 = jax.random.normal(ks[5], (H2, H2), dtype=jnp.float32) * (2.0 / H2) ** 0.5
    b3 = jnp.zeros((H2,), dtype=jnp.float32)
    Wfc = jax.random.normal(ks[6], (D_OUT, H2), dtype=jnp.float32) * (2.0 / H2) ** 0.5
    bfc = jnp.zeros((D_OUT,), dtype=jnp.float32)
    return {"x": x, "edge_index": edge_index, "batch": batch,
            "W1": W1, "b1": b1, "W2": W2, "b2": b2, "W3": W3, "b3": b3,
            "Wfc": Wfc, "bfc": bfc}


def _gcn_conv(x, W, b, src, dst, n):
    # PyG GCNConv: lin -> add self-loops -> sym-normalized scatter-add -> bias
    xw = x @ W.T
    loop = jnp.arange(n, dtype=src.dtype)
    s = jnp.concatenate([src, loop])
    d = jnp.concatenate([dst, loop])
    deg = jnp.zeros((n,), x.dtype).at[d].add(1.0)
    dinv = jnp.where(deg > 0, deg ** -0.5, 0.0)
    norm = dinv[s] * dinv[d]
    msg = jnp.take(xw, s, axis=0) * norm[:, None]
    out = jnp.zeros((n, xw.shape[1]), x.dtype).at[d].add(msg)
    return out + b


def reference(x, edge_index, batch, W1, b1, W2, b2, W3, b3, Wfc, bfc):
    src = edge_index[0]
    dst = edge_index[1]
    h = jax.nn.relu(_gcn_conv(x, W1, b1, src, dst, N))
    h = jax.nn.relu(_gcn_conv(h, W2, b2, src, dst, N))
    h = jax.nn.relu(_gcn_conv(h, W3, b3, src, dst, N))
    # dropout is identity at inference
    sums = jax.ops.segment_sum(h, batch, num_segments=N_GRAPHS)
    cnt = jax.ops.segment_sum(jnp.ones((N, 1), h.dtype), batch, num_segments=N_GRAPHS)
    pooled = sums / jnp.maximum(cnt, 1.0)
    return pooled @ Wfc.T + bfc

if __name__ == "__main__":
    import jax
    _d = setup_inputs()
    print(jax.jit(kernel)(*tuple(_d.values())))

</pallas_src>

<mosaic_0001>
#map = affine_map<(d0, d1) -> (0, 0)>
#map1 = affine_map<(d0, d1) -> (0)>
module attributes {stable_mosaic.version = 14 : i64} {
  func.func @agg_kernel(%arg0: i32, %arg1: i32, %arg2: memref<10000x128xf32, #tpu.memory_space<hbm>>, %arg3: memref<320000xi32, #tpu.memory_space<hbm>>, %arg4: memref<320000xi32, #tpu.memory_space<hbm>>, %arg5: memref<10000x128xf32, #tpu.memory_space<hbm>>, %arg6: memref<20000x128xf32, #tpu.memory_space<hbm>>, %arg7: memref<80xi32, #tpu.memory_space<vmem>>, %arg8: memref<80xi32, #tpu.memory_space<vmem>>, %arg9: memref<80x128xf32, #tpu.memory_space<vmem>>, %arg10: memref<10000x128xf32, #tpu.memory_space<vmem_shared>>, %arg11: memref<!tpu.dma_semaphore, #tpu.memory_space<semaphore_mem>>) attributes {dimension_semantics = [#tpu.dimension_semantics<core_parallel>, #tpu.dimension_semantics<subcore_parallel>], iteration_bounds = array<i64: 2, 16>, scalar_prefetch = 0 : i64, scratch_operands = 5 : i64, tpu.core_type = #tpu.core_type<sc_vector_subcore>, window_params = [{transform_indices = #map}, {transform_indices = #map1}, {transform_indices = #map1}, {transform_indices = #map}, {transform_indices = #map}]} {
    %mul3A = arith.constant 632 : i32
    %mul3A_0 = arith.muli %arg1, %mul3A : i32
    %min3A = arith.constant 9368 : i32
    %min3A_1 = arith.minsi %mul3A_0, %min3A : i32
    %multiple_of3A = tpu.assume_multiple %min3A_1, 8 : i32
    "tpu.region"() ({
      %run_scoped3A = tpu.sem_alloc : memref<!tpu.dma_semaphore, #tpu.memory_space<semaphore_mem>>
      %dma_start3A = arith.constant 0 : i32
      %dma_start3A_14 = tpu.memref_slice %arg10[%multiple_of3A, %dma_start3A] : memref<10000x128xf32, #tpu.memory_space<vmem_shared>> -> memref<632x128xf32, #tpu.memory_space<vmem_shared>>
      %dma_start3A_15 = arith.constant 0 : i32
      %dma_start3A_16 = tpu.memref_slice %arg5[%multiple_of3A, %dma_start3A_15] : memref<10000x128xf32, #tpu.memory_space<hbm>> -> memref<632x128xf32, #tpu.memory_space<hbm>>
      tpu.enqueue_dma source(%dma_start3A_16 : memref<632x128xf32, #tpu.memory_space<hbm>>) target(%dma_start3A_14 : memref<632x128xf32, #tpu.memory_space<vmem_shared>>) target_semaphore(%run_scoped3A : memref<!tpu.dma_semaphore, #tpu.memory_space<semaphore_mem>>)
      %dma_wait3A = arith.constant 0 : i32
      %dma_wait3A_17 = tpu.memref_slice %arg10[%multiple_of3A, %dma_wait3A] : memref<10000x128xf32, #tpu.memory_space<vmem_shared>> -> memref<632x128xf32, #tpu.memory_space<vmem_shared>>
      %dma_wait3A_18 = arith.constant 0 : i32
      %dma_wait3A_19 = tpu.memref_slice %arg5[%multiple_of3A, %dma_wait3A_18] : memref<10000x128xf32, #tpu.memory_space<hbm>> -> memref<632x128xf32, #tpu.memory_space<hbm>>
      tpu.wait_dma2 semaphore(%run_scoped3A : memref<!tpu.dma_semaphore, #tpu.memory_space<semaphore_mem>>) src(%dma_wait3A_19 : memref<632x128xf32, #tpu.memory_space<hbm>>) dst(%dma_wait3A_17 : memref<632x128xf32, #tpu.memory_space<vmem_shared>>)
      tpu.yield
    }) : () -> ()
    %barrier3A = arith.constant 0 : index
    tpu.barrier barrier_id(%barrier3A)
    %mul3A_2 = arith.constant 16 : i32
    %mul3A_3 = arith.muli %arg0, %mul3A_2 : i32
    %add3A = arith.addi %mul3A_3, %arg1 : i32
    %mul3A_4 = arith.constant 10000 : i32
    %mul3A_5 = arith.muli %add3A, %mul3A_4 : i32
    %scan3A = arith.constant 0 : i32
    %scan3A_6 = arith.constant 125 : i32
    %scan3A_7 = arith.addi %scan3A, %scan3A_6 : i32
    %scan3A_8 = arith.constant 1 : i32
    scf.for %scan3A_14 = %scan3A to %scan3A_7 step %scan3A_8  : i32 {
      %mul3A_15 = arith.constant 80 : i32
      %mul3A_16 = arith.muli %scan3A_14, %mul3A_15 : i32
      %add3A_17 = arith.constant 0 : i32
      %add3A_18 = arith.addi %add3A_17, %mul3A_16 : i32
      %add3A_19 = arith.addi %mul3A_5, %add3A_18 : i32
      "tpu.region"() ({
        %run_scoped3A = tpu.sem_alloc : memref<!tpu.dma_semaphore, #tpu.memory_space<semaphore_mem>>
        %dma_start3A_25 = tpu.memref_slice %arg3[%add3A_19] : memref<320000xi32, #tpu.memory_space<hbm>> -> memref<80xi32, #tpu.memory_space<hbm>>
        %dma_start3A_26 = tpu.memref_slice %arg3[%add3A_19] : memref<320000xi32, #tpu.memory_space<hbm>> -> memref<80xi32, #tpu.memory_space<hbm>>
        tpu.enqueue_dma source(%dma_start3A_26 : memref<80xi32, #tpu.memory_space<hbm>>) target(%arg7 : memref<80xi32, #tpu.memory_space<vmem>>) target_semaphore(%run_scoped3A : memref<!tpu.dma_semaphore, #tpu.memory_space<semaphore_mem>>)
        %dma_wait3A_27 = tpu.memref_slice %arg3[%add3A_19] : memref<320000xi32, #tpu.memory_space<hbm>> -> memref<80xi32, #tpu.memory_space<hbm>>
        %dma_wait3A_28 = tpu.memref_slice %arg3[%add3A_19] : memref<320000xi32, #tpu.memory_space<hbm>> -> memref<80xi32, #tpu.memory_space<hbm>>
        tpu.wait_dma2 semaphore(%run_scoped3A : memref<!tpu.dma_semaphore, #tpu.memory_space<semaphore_mem>>) src(%dma_wait3A_28 : memref<80xi32, #tpu.memory_space<hbm>>) dst(%arg7 : memref<80xi32, #tpu.memory_space<vmem>>)
        tpu.yield
      }) : () -> ()
      %add3A_20 = arith.addi %mul3A_5, %add3A_18 : i32
      "tpu.region"() ({
        %run_scoped3A = tpu.sem_alloc : memref<!tpu.dma_semaphore, #tpu.memory_space<semaphore_mem>>
        %dma_start3A_25 = tpu.memref_slice %arg4[%add3A_20] : memref<320000xi32, #tpu.memory_space<hbm>> -> memref<80xi32, #tpu.memory_space<hbm>>
        %dma_start3A_26 = tpu.memref_slice %arg4[%add3A_20] : memref<320000xi32, #tpu.memory_space<hbm>> -> memref<80xi32, #tpu.memory_space<hbm>>
        tpu.enqueue_dma source(%dma_start3A_26 : memref<80xi32, #tpu.memory_space<hbm>>) target(%arg8 : memref<80xi32, #tpu.memory_space<vmem>>) target_semaphore(%run_scoped3A : memref<!tpu.dma_semaphore, #tpu.memory_space<semaphore_mem>>)
        %dma_wait3A_27 = tpu.memref_slice %arg4[%add3A_20] : memref<320000xi32, #tpu.memory_space<hbm>> -> memref<80xi32, #tpu.memory_space<hbm>>
        %dma_wait3A_28 = tpu.memref_slice %arg4[%add3A_20] : memref<320000xi32, #tpu.memory_space<hbm>> -> memref<80xi32, #tpu.memory_space<hbm>>
        tpu.wait_dma2 semaphore(%run_scoped3A : memref<!tpu.dma_semaphore, #tpu.memory_space<semaphore_mem>>) src(%dma_wait3A_28 : memref<80xi32, #tpu.memory_space<hbm>>) dst(%arg8 : memref<80xi32, #tpu.memory_space<vmem>>)
        tpu.yield
      }) : () -> ()
      %dma_start3A = arith.constant 0 : i32
      %dma_start3A_21 = arith.constant 0 : i32
      %dma_start3A_22 = tpu.memref_slice %arg2[%dma_start3A, %dma_start3A_21] : memref<10000x128xf32, #tpu.memory_space<hbm>> -> memref<10000x128xf32, #tpu.memory_space<hbm>>
      tpu.enqueue_indirect_dma source(%dma_start3A_22 : memref<10000x128xf32, #tpu.memory_space<hbm>>) target(%arg9 : memref<80x128xf32, #tpu.memory_space<vmem>>) offsets(%arg7 : memref<80xi32, #tpu.memory_space<vmem>>) semaphore(%arg11 : memref<!tpu.dma_semaphore, #tpu.memory_space<semaphore_mem>>)
      %dma_wait3A = arith.constant 0 : i32
      %dma_wait3A_23 = arith.constant 0 : i32
      %dma_wait3A_24 = tpu.memref_slice %arg2[%dma_wait3A, %dma_wait3A_23] : memref<10000x128xf32, #tpu.memory_space<hbm>> -> memref<10000x128xf32, #tpu.memory_space<hbm>>
      tpu.wait_indirect_dma semaphore(%arg11 : memref<!tpu.dma_semaphore, #tpu.memory_space<semaphore_mem>>) src(%dma_wait3A_24 : memref<10000x128xf32, #tpu.memory_space<hbm>>) dst(%arg9 : memref<80x128xf32, #tpu.memory_space<vmem>>)
      "tpu.region"() ({
        %run_scoped3A = tpu.sem_alloc : memref<!tpu.dma_semaphore, #tpu.memory_space<semaphore_mem>>
        %dma_start3A_25 = arith.constant 0 : i32
        %dma_start3A_26 = arith.constant 0 : i32
        %dma_start3A_27 = tpu.memref_slice %arg10[%dma_start3A_25, %dma_start3A_26] : memref<10000x128xf32, #tpu.memory_space<vmem_shared>> -> memref<10000x128xf32, #tpu.memory_space<vmem_shared>>
        tpu.enqueue_indirect_dma source(%arg9 : memref<80x128xf32, #tpu.memory_space<vmem>>) target(%dma_start3A_27 : memref<10000x128xf32, #tpu.memory_space<vmem_shared>>) offsets(%arg8 : memref<80xi32, #tpu.memory_space<vmem>>) semaphore(%run_scoped3A : memref<!tpu.dma_semaphore, #tpu.memory_space<semaphore_mem>>) {add = true}
        %dma_wait3A_28 = arith.constant 0 : i32
        %dma_wait3A_29 = arith.constant 0 : i32
        %dma_wait3A_30 = tpu.memref_slice %arg10[%dma_wait3A_28, %dma_wait3A_29] : memref<10000x128xf32, #tpu.memory_space<vmem_shared>> -> memref<10000x128xf32, #tpu.memory_space<vmem_shared>>
        tpu.wait_indirect_dma semaphore(%run_scoped3A : memref<!tpu.dma_semaphore, #tpu.memory_space<semaphore_mem>>) src(%arg9 : memref<80x128xf32, #tpu.memory_space<vmem>>) dst(%dma_wait3A_30 : memref<10000x128xf32, #tpu.memory_space<vmem_shared>>)
        tpu.yield
      }) : () -> ()
    }
    %scan3A_9 = arith.constant 125 : i32
    %barrier3A_10 = arith.constant 0 : index
    tpu.barrier barrier_id(%barrier3A_10)
    %mul3A_11 = arith.constant 10000 : i32
    %mul3A_12 = arith.muli %arg0, %mul3A_11 : i32
    %add3A_13 = arith.addi %mul3A_12, %multiple_of3A : i32
    "tpu.region"() ({
      %run_scoped3A = tpu.sem_alloc : memref<!tpu.dma_semaphore, #tpu.memory_space<semaphore_mem>>
      %dma_start3A = arith.constant 0 : i32
      %dma_start3A_14 = tpu.memref_slice %arg6[%add3A_13, %dma_start3A] : memref<20000x128xf32, #tpu.memory_space<hbm>> -> memref<632x128xf32, #tpu.memory_space<hbm>>
      %dma_start3A_15 = arith.constant 0 : i32
      %dma_start3A_16 = tpu.memref_slice %arg10[%multiple_of3A, %dma_start3A_15] : memref<10000x128xf32, #tpu.memory_space<vmem_shared>> -> memref<632x128xf32, #tpu.memory_space<vmem_shared>>
      tpu.enqueue_dma source(%dma_start3A_16 : memref<632x128xf32, #tpu.memory_space<vmem_shared>>) target(%dma_start3A_14 : memref<632x128xf32, #tpu.memory_space<hbm>>) target_semaphore(%run_scoped3A : memref<!tpu.dma_semaphore, #tpu.memory_space<semaphore_mem>>)
      %dma_wait3A = arith.constant 0 : i32
      %dma_wait3A_17 = tpu.memref_slice %arg6[%add3A_13, %dma_wait3A] : memref<20000x128xf32, #tpu.memory_space<hbm>> -> memref<632x128xf32, #tpu.memory_space<hbm>>
      %dma_wait3A_18 = arith.constant 0 : i32
      %dma_wait3A_19 = tpu.memref_slice %arg10[%multiple_of3A, %dma_wait3A_18] : memref<10000x128xf32, #tpu.memory_space<vmem_shared>> -> memref<632x128xf32, #tpu.memory_space<vmem_shared>>
      tpu.wait_dma2 semaphore(%run_scoped3A : memref<!tpu.dma_semaphore, #tpu.memory_space<semaphore_mem>>) src(%dma_wait3A_19 : memref<632x128xf32, #tpu.memory_space<vmem_shared>>) dst(%dma_wait3A_17 : memref<632x128xf32, #tpu.memory_space<hbm>>)
      tpu.yield
    }) : () -> ()
    return
  }
}

#map = affine_map<(d0, d1) -> (0, 0)>
#map1 = affine_map<(d0, d1) -> (0)>
module attributes {stable_mosaic.version = 14 : i64} {
  func.func @agg_kernel(%arg0: i32, %arg1: i32, %arg2: memref<10000x128xf32, #tpu.memory_space<hbm>>, %arg3: memref<320000xi32, #tpu.memory_space<hbm>>, %arg4: memref<320000xi32, #tpu.memory_space<hbm>>, %arg5: memref<10000x128xf32, #tpu.memory_space<hbm>>, %arg6: memref<20000x128xf32, #tpu.memory_space<hbm>>, %arg7: memref<80xi32, #tpu.memory_space<vmem>>, %arg8: memref<80xi32, #tpu.memory_space<vmem>>, %arg9: memref<80x128xf32, #tpu.memory_space<vmem>>, %arg10: memref<10000x128xf32, #tpu.memory_space<vmem_shared>>, %arg11: memref<!tpu.dma_semaphore, #tpu.memory_space<semaphore_mem>>) attributes {dimension_semantics = [#tpu.dimension_semantics<core_parallel>, #tpu.dimension_semantics<subcore_parallel>], iteration_bounds = array<i64: 2, 16>, scalar_prefetch = 0 : i64, scratch_operands = 5 : i64, tpu.core_type = #tpu.core_type<sc_vector_subcore>, window_params = [{transform_indices = #map}, {transform_indices = #map1}, {transform_indices = #map1}, {transform_indices = #map}, {transform_indices = #map}]} {
    %mul3A = arith.constant 632 : i32
    %mul3A_0 = arith.muli %arg1, %mul3A : i32
    %min3A = arith.constant 9368 : i32
    %min3A_1 = arith.minsi %mul3A_0, %min3A : i32
    %multiple_of3A = tpu.assume_multiple %min3A_1, 8 : i32
    "tpu.region"() ({
      %run_scoped3A = tpu.sem_alloc : memref<!tpu.dma_semaphore, #tpu.memory_space<semaphore_mem>>
      %dma_start3A = arith.constant 0 : i32
      %dma_start3A_14 = tpu.memref_slice %arg10[%multiple_of3A, %dma_start3A] : memref<10000x128xf32, #tpu.memory_space<vmem_shared>> -> memref<632x128xf32, #tpu.memory_space<vmem_shared>>
      %dma_start3A_15 = arith.constant 0 : i32
      %dma_start3A_16 = tpu.memref_slice %arg5[%multiple_of3A, %dma_start3A_15] : memref<10000x128xf32, #tpu.memory_space<hbm>> -> memref<632x128xf32, #tpu.memory_space<hbm>>
      tpu.enqueue_dma source(%dma_start3A_16 : memref<632x128xf32, #tpu.memory_space<hbm>>) target(%dma_start3A_14 : memref<632x128xf32, #tpu.memory_space<vmem_shared>>) target_semaphore(%run_scoped3A : memref<!tpu.dma_semaphore, #tpu.memory_space<semaphore_mem>>)
      %dma_wait3A = arith.constant 0 : i32
      %dma_wait3A_17 = tpu.memref_slice %arg10[%multiple_of3A, %dma_wait3A] : memref<10000x128xf32, #tpu.memory_space<vmem_shared>> -> memref<632x128xf32, #tpu.memory_space<vmem_shared>>
      %dma_wait3A_18 = arith.constant 0 : i32
      %dma_wait3A_19 = tpu.memref_slice %arg5[%multiple_of3A, %dma_wait3A_18] : memref<10000x128xf32, #tpu.memory_space<hbm>> -> memref<632x128xf32, #tpu.memory_space<hbm>>
      tpu.wait_dma2 semaphore(%run_scoped3A : memref<!tpu.dma_semaphore, #tpu.memory_space<semaphore_mem>>) src(%dma_wait3A_19 : memref<632x128xf32, #tpu.memory_space<hbm>>) dst(%dma_wait3A_17 : memref<632x128xf32, #tpu.memory_space<vmem_shared>>)
      tpu.yield
    }) : () -> ()
    %barrier3A = arith.constant 0 : index
    tpu.barrier barrier_id(%barrier3A)
    %mul3A_2 = arith.constant 16 : i32
    %mul3A_3 = arith.muli %arg0, %mul3A_2 : i32
    %add3A = arith.addi %mul3A_3, %arg1 : i32
    %mul3A_4 = arith.constant 10000 : i32
    %mul3A_5 = arith.muli %add3A, %mul3A_4 : i32
    %scan3A = arith.constant 0 : i32
    %scan3A_6 = arith.constant 125 : i32
    %scan3A_7 = arith.addi %scan3A, %scan3A_6 : i32
    %scan3A_8 = arith.constant 1 : i32
    scf.for %scan3A_14 = %scan3A to %scan3A_7 step %scan3A_8  : i32 {
      %mul3A_15 = arith.constant 80 : i32
      %mul3A_16 = arith.muli %scan3A_14, %mul3A_15 : i32
      %add3A_17 = arith.constant 0 : i32
      %add3A_18 = arith.addi %add3A_17, %mul3A_16 : i32
      %add3A_19 = arith.addi %mul3A_5, %add3A_18 : i32
      "tpu.region"() ({
        %run_scoped3A = tpu.sem_alloc : memref<!tpu.dma_semaphore, #tpu.memory_space<semaphore_mem>>
        %dma_start3A_25 = tpu.memref_slice %arg3[%add3A_19] : memref<320000xi32, #tpu.memory_space<hbm>> -> memref<80xi32, #tpu.memory_space<hbm>>
        %dma_start3A_26 = tpu.memref_slice %arg3[%add3A_19] : memref<320000xi32, #tpu.memory_space<hbm>> -> memref<80xi32, #tpu.memory_space<hbm>>
        tpu.enqueue_dma source(%dma_start3A_26 : memref<80xi32, #tpu.memory_space<hbm>>) target(%arg7 : memref<80xi32, #tpu.memory_space<vmem>>) target_semaphore(%run_scoped3A : memref<!tpu.dma_semaphore, #tpu.memory_space<semaphore_mem>>)
        %dma_wait3A_27 = tpu.memref_slice %arg3[%add3A_19] : memref<320000xi32, #tpu.memory_space<hbm>> -> memref<80xi32, #tpu.memory_space<hbm>>
        %dma_wait3A_28 = tpu.memref_slice %arg3[%add3A_19] : memref<320000xi32, #tpu.memory_space<hbm>> -> memref<80xi32, #tpu.memory_space<hbm>>
        tpu.wait_dma2 semaphore(%run_scoped3A : memref<!tpu.dma_semaphore, #tpu.memory_space<semaphore_mem>>) src(%dma_wait3A_28 : memref<80xi32, #tpu.memory_space<hbm>>) dst(%arg7 : memref<80xi32, #tpu.memory_space<vmem>>)
        tpu.yield
      }) : () -> ()
      %add3A_20 = arith.addi %mul3A_5, %add3A_18 : i32
      "tpu.region"() ({
        %run_scoped3A = tpu.sem_alloc : memref<!tpu.dma_semaphore, #tpu.memory_space<semaphore_mem>>
        %dma_start3A_25 = tpu.memref_slice %arg4[%add3A_20] : memref<320000xi32, #tpu.memory_space<hbm>> -> memref<80xi32, #tpu.memory_space<hbm>>
        %dma_start3A_26 = tpu.memref_slice %arg4[%add3A_20] : memref<320000xi32, #tpu.memory_space<hbm>> -> memref<80xi32, #tpu.memory_space<hbm>>
        tpu.enqueue_dma source(%dma_start3A_26 : memref<80xi32, #tpu.memory_space<hbm>>) target(%arg8 : memref<80xi32, #tpu.memory_space<vmem>>) target_semaphore(%run_scoped3A : memref<!tpu.dma_semaphore, #tpu.memory_space<semaphore_mem>>)
        %dma_wait3A_27 = tpu.memref_slice %arg4[%add3A_20] : memref<320000xi32, #tpu.memory_space<hbm>> -> memref<80xi32, #tpu.memory_space<hbm>>
        %dma_wait3A_28 = tpu.memref_slice %arg4[%add3A_20] : memref<320000xi32, #tpu.memory_space<hbm>> -> memref<80xi32, #tpu.memory_space<hbm>>
        tpu.wait_dma2 semaphore(%run_scoped3A : memref<!tpu.dma_semaphore, #tpu.memory_space<semaphore_mem>>) src(%dma_wait3A_28 : memref<80xi32, #tpu.memory_space<hbm>>) dst(%arg8 : memref<80xi32, #tpu.memory_space<vmem>>)
        tpu.yield
      }) : () -> ()
      %dma_start3A = arith.constant 0 : i32
      %dma_start3A_21 = arith.constant 0 : i32
      %dma_start3A_22 = tpu.memref_slice %arg2[%dma_start3A, %dma_start3A_21] : memref<10000x128xf32, #tpu.memory_space<hbm>> -> memref<10000x128xf32, #tpu.memory_space<hbm>>
      tpu.enqueue_indirect_dma source(%dma_start3A_22 : memref<10000x128xf32, #tpu.memory_space<hbm>>) target(%arg9 : memref<80x128xf32, #tpu.memory_space<vmem>>) offsets(%arg7 : memref<80xi32, #tpu.memory_space<vmem>>) semaphore(%arg11 : memref<!tpu.dma_semaphore, #tpu.memory_space<semaphore_mem>>)
      %dma_wait3A = arith.constant 0 : i32
      %dma_wait3A_23 = arith.constant 0 : i32
      %dma_wait3A_24 = tpu.memref_slice %arg2[%dma_wait3A, %dma_wait3A_23] : memref<10000x128xf32, #tpu.memory_space<hbm>> -> memref<10000x128xf32, #tpu.memory_space<hbm>>
      tpu.wait_indirect_dma semaphore(%arg11 : memref<!tpu.dma_semaphore, #tpu.memory_space<semaphore_mem>>) src(%dma_wait3A_24 : memref<10000x128xf32, #tpu.memory_space<hbm>>) dst(%arg9 : memref<80x128xf32, #tpu.memory_space<vmem>>)
      "tpu.region"() ({
        %run_scoped3A = tpu.sem_alloc : memref<!tpu.dma_semaphore, #tpu.memory_space<semaphore_mem>>
        %dma_start3A_25 = arith.constant 0 : i32
        %dma_start3A_26 = arith.constant 0 : i32
        %dma_start3A_27 = tpu.memref_slice %arg10[%dma_start3A_25, %dma_start3A_26] : memref<10000x128xf32, #tpu.memory_space<vmem_shared>> -> memref<10000x128xf32, #tpu.memory_space<vmem_shared>>
        tpu.enqueue_indirect_dma source(%arg9 : memref<80x128xf32, #tpu.memory_space<vmem>>) target(%dma_start3A_27 : memref<10000x128xf32, #tpu.memory_space<vmem_shared>>) offsets(%arg8 : memref<80xi32, #tpu.memory_space<vmem>>) semaphore(%run_scoped3A : memref<!tpu.dma_semaphore, #tpu.memory_space<semaphore_mem>>) {add = true}
        %dma_wait3A_28 = arith.constant 0 : i32
        %dma_wait3A_29 = arith.constant 0 : i32
        %dma_wait3A_30 = tpu.memref_slice %arg10[%dma_wait3A_28, %dma_wait3A_29] : memref<10000x128xf32, #tpu.memory_space<vmem_shared>> -> memref<10000x128xf32, #tpu.memory_space<vmem_shared>>
        tpu.wait_indirect_dma semaphore(%run_scoped3A : memref<!tpu.dma_semaphore, #tpu.memory_space<semaphore_mem>>) src(%arg9 : memref<80x128xf32, #tpu.memory_space<vmem>>) dst(%dma_wait3A_30 : memref<10000x128xf32, #tpu.memory_space<vmem_shared>>)
        tpu.yield
      }) : () -> ()
    }
    %scan3A_9 = arith.constant 125 : i32
    %barrier3A_10 = arith.constant 0 : index
    tpu.barrier barrier_id(%barrier3A_10)
    %mul3A_11 = arith.constant 10000 : i32
    %mul3A_12 = arith.muli %arg0, %mul3A_11 : i32
    %add3A_13 = arith.addi %mul3A_12, %multiple_of3A : i32
    "tpu.region"() ({
      %run_scoped3A = tpu.sem_alloc : memref<!tpu.dma_semaphore, #tpu.memory_space<semaphore_mem>>
      %dma_start3A = arith.constant 0 : i32
      %dma_start3A_14 = tpu.memref_slice %arg6[%add3A_13, %dma_start3A] : memref<20000x128xf32, #tpu.memory_space<hbm>> -> memref<632x128xf32, #tpu.memory_space<hbm>>
      %dma_start3A_15 = arith.constant 0 : i32
      %dma_start3A_16 = tpu.memref_slice %arg10[%multiple_of3A, %dma_start3A_15] : memref<10000x128xf32, #tpu.memory_space<vmem_shared>> -> memref<632x128xf32, #tpu.memory_space<vmem_shared>>
      tpu.enqueue_dma source(%dma_start3A_16 : memref<632x128xf32, #tpu.memory_space<vmem_shared>>) target(%dma_start3A_14 : memref<632x128xf32, #tpu.memory_space<hbm>>) target_semaphore(%run_scoped3A : memref<!tpu.dma_semaphore, #tpu.memory_space<semaphore_mem>>)
      %dma_wait3A = arith.constant 0 : i32
      %dma_wait3A_17 = tpu.memref_slice %arg6[%add3A_13, %dma_wait3A] : memref<20000x128xf32, #tpu.memory_space<hbm>> -> memref<632x128xf32, #tpu.memory_space<hbm>>
      %dma_wait3A_18 = arith.constant 0 : i32
      %dma_wait3A_19 = tpu.memref_slice %arg10[%multiple_of3A, %dma_wait3A_18] : memref<10000x128xf32, #tpu.memory_space<vmem_shared>> -> memref<632x128xf32, #tpu.memory_space<vmem_shared>>
      tpu.wait_dma2 semaphore(%run_scoped3A : memref<!tpu.dma_semaphore, #tpu.memory_space<semaphore_mem>>) src(%dma_wait3A_19 : memref<632x128xf32, #tpu.memory_space<vmem_shared>>) dst(%dma_wait3A_17 : memref<632x128xf32, #tpu.memory_space<hbm>>)
      tpu.yield
    }) : () -> ()
    return
  }
}

#map = affine_map<(d0, d1) -> (0, 0)>
#map1 = affine_map<(d0, d1) -> (0)>
module attributes {stable_mosaic.version = 14 : i64} {
  func.func @agg_kernel(%arg0: i32, %arg1: i32, %arg2: memref<10000x128xf32, #tpu.memory_space<hbm>>, %arg3: memref<320000xi32, #tpu.memory_space<hbm>>, %arg4: memref<320000xi32, #tpu.memory_space<hbm>>, %arg5: memref<10000x128xf32, #tpu.memory_space<hbm>>, %arg6: memref<20000x128xf32, #tpu.memory_space<hbm>>, %arg7: memref<80xi32, #tpu.memory_space<vmem>>, %arg8: memref<80xi32, #tpu.memory_space<vmem>>, %arg9: memref<80x128xf32, #tpu.memory_space<vmem>>, %arg10: memref<10000x128xf32, #tpu.memory_space<vmem_shared>>, %arg11: memref<!tpu.dma_semaphore, #tpu.memory_space<semaphore_mem>>) attributes {dimension_semantics = [#tpu.dimension_semantics<core_parallel>, #tpu.dimension_semantics<subcore_parallel>], iteration_bounds = array<i64: 2, 16>, scalar_prefetch = 0 : i64, scratch_operands = 5 : i64, tpu.core_type = #tpu.core_type<sc_vector_subcore>, window_params = [{transform_indices = #map}, {transform_indices = #map1}, {transform_indices = #map1}, {transform_indices = #map}, {transform_indices = #map}]} {
    %mul3A = arith.constant 632 : i32
    %mul3A_0 = arith.muli %arg1, %mul3A : i32
    %min3A = arith.constant 9368 : i32
    %min3A_1 = arith.minsi %mul3A_0, %min3A : i32
    %multiple_of3A = tpu.assume_multiple %min3A_1, 8 : i32
    "tpu.region"() ({
      %run_scoped3A = tpu.sem_alloc : memref<!tpu.dma_semaphore, #tpu.memory_space<semaphore_mem>>
      %dma_start3A = arith.constant 0 : i32
      %dma_start3A_14 = tpu.memref_slice %arg10[%multiple_of3A, %dma_start3A] : memref<10000x128xf32, #tpu.memory_space<vmem_shared>> -> memref<632x128xf32, #tpu.memory_space<vmem_shared>>
      %dma_start3A_15 = arith.constant 0 : i32
      %dma_start3A_16 = tpu.memref_slice %arg5[%multiple_of3A, %dma_start3A_15] : memref<10000x128xf32, #tpu.memory_space<hbm>> -> memref<632x128xf32, #tpu.memory_space<hbm>>
      tpu.enqueue_dma source(%dma_start3A_16 : memref<632x128xf32, #tpu.memory_space<hbm>>) target(%dma_start3A_14 : memref<632x128xf32, #tpu.memory_space<vmem_shared>>) target_semaphore(%run_scoped3A : memref<!tpu.dma_semaphore, #tpu.memory_space<semaphore_mem>>)
      %dma_wait3A = arith.constant 0 : i32
      %dma_wait3A_17 = tpu.memref_slice %arg10[%multiple_of3A, %dma_wait3A] : memref<10000x128xf32, #tpu.memory_space<vmem_shared>> -> memref<632x128xf32, #tpu.memory_space<vmem_shared>>
      %dma_wait3A_18 = arith.constant 0 : i32
      %dma_wait3A_19 = tpu.memref_slice %arg5[%multiple_of3A, %dma_wait3A_18] : memref<10000x128xf32, #tpu.memory_space<hbm>> -> memref<632x128xf32, #tpu.memory_space<hbm>>
      tpu.wait_dma2 semaphore(%run_scoped3A : memref<!tpu.dma_semaphore, #tpu.memory_space<semaphore_mem>>) src(%dma_wait3A_19 : memref<632x128xf32, #tpu.memory_space<hbm>>) dst(%dma_wait3A_17 : memref<632x128xf32, #tpu.memory_space<vmem_shared>>)
      tpu.yield
    }) : () -> ()
    %barrier3A = arith.constant 0 : index
    tpu.barrier barrier_id(%barrier3A)
    %mul3A_2 = arith.constant 16 : i32
    %mul3A_3 = arith.muli %arg0, %mul3A_2 : i32
    %add3A = arith.addi %mul3A_3, %arg1 : i32
    %mul3A_4 = arith.constant 10000 : i32
    %mul3A_5 = arith.muli %add3A, %mul3A_4 : i32
    %scan3A = arith.constant 0 : i32
    %scan3A_6 = arith.constant 125 : i32
    %scan3A_7 = arith.addi %scan3A, %scan3A_6 : i32
    %scan3A_8 = arith.constant 1 : i32
    scf.for %scan3A_14 = %scan3A to %scan3A_7 step %scan3A_8  : i32 {
      %mul3A_15 = arith.constant 80 : i32
      %mul3A_16 = arith.muli %scan3A_14, %mul3A_15 : i32
      %add3A_17 = arith.constant 0 : i32
      %add3A_18 = arith.addi %add3A_17, %mul3A_16 : i32
      %add3A_19 = arith.addi %mul3A_5, %add3A_18 : i32
      "tpu.region"() ({
        %run_scoped3A = tpu.sem_alloc : memref<!tpu.dma_semaphore, #tpu.memory_space<semaphore_mem>>
        %dma_start3A_25 = tpu.memref_slice %arg3[%add3A_19] : memref<320000xi32, #tpu.memory_space<hbm>> -> memref<80xi32, #tpu.memory_space<hbm>>
        %dma_start3A_26 = tpu.memref_slice %arg3[%add3A_19] : memref<320000xi32, #tpu.memory_space<hbm>> -> memref<80xi32, #tpu.memory_space<hbm>>
        tpu.enqueue_dma source(%dma_start3A_26 : memref<80xi32, #tpu.memory_space<hbm>>) target(%arg7 : memref<80xi32, #tpu.memory_space<vmem>>) target_semaphore(%run_scoped3A : memref<!tpu.dma_semaphore, #tpu.memory_space<semaphore_mem>>)
        %dma_wait3A_27 = tpu.memref_slice %arg3[%add3A_19] : memref<320000xi32, #tpu.memory_space<hbm>> -> memref<80xi32, #tpu.memory_space<hbm>>
        %dma_wait3A_28 = tpu.memref_slice %arg3[%add3A_19] : memref<320000xi32, #tpu.memory_space<hbm>> -> memref<80xi32, #tpu.memory_space<hbm>>
        tpu.wait_dma2 semaphore(%run_scoped3A : memref<!tpu.dma_semaphore, #tpu.memory_space<semaphore_mem>>) src(%dma_wait3A_28 : memref<80xi32, #tpu.memory_space<hbm>>) dst(%arg7 : memref<80xi32, #tpu.memory_space<vmem>>)
        tpu.yield
      }) : () -> ()
      %add3A_20 = arith.addi %mul3A_5, %add3A_18 : i32
      "tpu.region"() ({
        %run_scoped3A = tpu.sem_alloc : memref<!tpu.dma_semaphore, #tpu.memory_space<semaphore_mem>>
        %dma_start3A_25 = tpu.memref_slice %arg4[%add3A_20] : memref<320000xi32, #tpu.memory_space<hbm>> -> memref<80xi32, #tpu.memory_space<hbm>>
        %dma_start3A_26 = tpu.memref_slice %arg4[%add3A_20] : memref<320000xi32, #tpu.memory_space<hbm>> -> memref<80xi32, #tpu.memory_space<hbm>>
        tpu.enqueue_dma source(%dma_start3A_26 : memref<80xi32, #tpu.memory_space<hbm>>) target(%arg8 : memref<80xi32, #tpu.memory_space<vmem>>) target_semaphore(%run_scoped3A : memref<!tpu.dma_semaphore, #tpu.memory_space<semaphore_mem>>)
        %dma_wait3A_27 = tpu.memref_slice %arg4[%add3A_20] : memref<320000xi32, #tpu.memory_space<hbm>> -> memref<80xi32, #tpu.memory_space<hbm>>
        %dma_wait3A_28 = tpu.memref_slice %arg4[%add3A_20] : memref<320000xi32, #tpu.memory_space<hbm>> -> memref<80xi32, #tpu.memory_space<hbm>>
        tpu.wait_dma2 semaphore(%run_scoped3A : memref<!tpu.dma_semaphore, #tpu.memory_space<semaphore_mem>>) src(%dma_wait3A_28 : memref<80xi32, #tpu.memory_space<hbm>>) dst(%arg8 : memref<80xi32, #tpu.memory_space<vmem>>)
        tpu.yield
      }) : () -> ()
      %dma_start3A = arith.constant 0 : i32
      %dma_start3A_21 = arith.constant 0 : i32
      %dma_start3A_22 = tpu.memref_slice %arg2[%dma_start3A, %dma_start3A_21] : memref<10000x128xf32, #tpu.memory_space<hbm>> -> memref<10000x128xf32, #tpu.memory_space<hbm>>
      tpu.enqueue_indirect_dma source(%dma_start3A_22 : memref<10000x128xf32, #tpu.memory_space<hbm>>) target(%arg9 : memref<80x128xf32, #tpu.memory_space<vmem>>) offsets(%arg7 : memref<80xi32, #tpu.memory_space<vmem>>) semaphore(%arg11 : memref<!tpu.dma_semaphore, #tpu.memory_space<semaphore_mem>>)
      %dma_wait3A = arith.constant 0 : i32
      %dma_wait3A_23 = arith.constant 0 : i32
      %dma_wait3A_24 = tpu.memref_slice %arg2[%dma_wait3A, %dma_wait3A_23] : memref<10000x128xf32, #tpu.memory_space<hbm>> -> memref<10000x128xf32, #tpu.memory_space<hbm>>
      tpu.wait_indirect_dma semaphore(%arg11 : memref<!tpu.dma_semaphore, #tpu.memory_space<semaphore_mem>>) src(%dma_wait3A_24 : memref<10000x128xf32, #tpu.memory_space<hbm>>) dst(%arg9 : memref<80x128xf32, #tpu.memory_space<vmem>>)
      "tpu.region"() ({
        %run_scoped3A = tpu.sem_alloc : memref<!tpu.dma_semaphore, #tpu.memory_space<semaphore_mem>>
        %dma_start3A_25 = arith.constant 0 : i32
        %dma_start3A_26 = arith.constant 0 : i32
        %dma_start3A_27 = tpu.memref_slice %arg10[%dma_start3A_25, %dma_start3A_26] : memref<10000x128xf32, #tpu.memory_space<vmem_shared>> -> memref<10000x128xf32, #tpu.memory_space<vmem_shared>>
        tpu.enqueue_indirect_dma source(%arg9 : memref<80x128xf32, #tpu.memory_space<vmem>>) target(%dma_start3A_27 : memref<10000x128xf32, #tpu.memory_space<vmem_shared>>) offsets(%arg8 : memref<80xi32, #tpu.memory_space<vmem>>) semaphore(%run_scoped3A : memref<!tpu.dma_semaphore, #tpu.memory_space<semaphore_mem>>) {add = true}
        %dma_wait3A_28 = arith.constant 0 : i32
        %dma_wait3A_29 = arith.constant 0 : i32
        %dma_wait3A_30 = tpu.memref_slice %arg10[%dma_wait3A_28, %dma_wait3A_29] : memref<10000x128xf32, #tpu.memory_space<vmem_shared>> -> memref<10000x128xf32, #tpu.memory_space<vmem_shared>>
        tpu.wait_indirect_dma semaphore(%run_scoped3A : memref<!tpu.dma_semaphore, #tpu.memory_space<semaphore_mem>>) src(%arg9 : memref<80x128xf32, #tpu.memory_space<vmem>>) dst(%dma_wait3A_30 : memref<10000x128xf32, #tpu.memory_space<vmem_shared>>)
        tpu.yield
      }) : () -> ()
    }
    %scan3A_9 = arith.constant 125 : i32
    %barrier3A_10 = arith.constant 0 : index
    tpu.barrier barrier_id(%barrier3A_10)
    %mul3A_11 = arith.constant 10000 : i32
    %mul3A_12 = arith.muli %arg0, %mul3A_11 : i32
    %add3A_13 = arith.addi %mul3A_12, %multiple_of3A : i32
    "tpu.region"() ({
      %run_scoped3A = tpu.sem_alloc : memref<!tpu.dma_semaphore, #tpu.memory_space<semaphore_mem>>
      %dma_start3A = arith.constant 0 : i32
      %dma_start3A_14 = tpu.memref_slice %arg6[%add3A_13, %dma_start3A] : memref<20000x128xf32, #tpu.memory_space<hbm>> -> memref<632x128xf32, #tpu.memory_space<hbm>>
      %dma_start3A_15 = arith.constant 0 : i32
      %dma_start3A_16 = tpu.memref_slice %arg10[%multiple_of3A, %dma_start3A_15] : memref<10000x128xf32, #tpu.memory_space<vmem_shared>> -> memref<632x128xf32, #tpu.memory_space<vmem_shared>>
      tpu.enqueue_dma source(%dma_start3A_16 : memref<632x128xf32, #tpu.memory_space<vmem_shared>>) target(%dma_start3A_14 : memref<632x128xf32, #tpu.memory_space<hbm>>) target_semaphore(%run_scoped3A : memref<!tpu.dma_semaphore, #tpu.memory_space<semaphore_mem>>)
      %dma_wait3A = arith.constant 0 : i32
      %dma_wait3A_17 = tpu.memref_slice %arg6[%add3A_13, %dma_wait3A] : memref<20000x128xf32, #tpu.memory_space<hbm>> -> memref<632x128xf32, #tpu.memory_space<hbm>>
      %dma_wait3A_18 = arith.constant 0 : i32
      %dma_wait3A_19 = tpu.memref_slice %arg10[%multiple_of3A, %dma_wait3A_18] : memref<10000x128xf32, #tpu.memory_space<vmem_shared>> -> memref<632x128xf32, #tpu.memory_space<vmem_shared>>
      tpu.wait_dma2 semaphore(%run_scoped3A : memref<!tpu.dma_semaphore, #tpu.memory_space<semaphore_mem>>) src(%dma_wait3A_19 : memref<632x128xf32, #tpu.memory_space<vmem_shared>>) dst(%dma_wait3A_17 : memref<632x128xf32, #tpu.memory_space<hbm>>)
      tpu.yield
    }) : () -> ()
    return
  }
}

#map = affine_map<(d0, d1) -> (0, 0)>
#map1 = affine_map<(d0, d1) -> (0)>
module attributes {stable_mosaic.version = 14 : i64} {
  func.func @agg_kernel(%arg0: i32, %arg1: i32, %arg2: memref<10000x128xf32, #tpu.memory_space<hbm>>, %arg3: memref<320000xi32, #tpu.memory_space<hbm>>, %arg4: memref<320000xi32, #tpu.memory_space<hbm>>, %arg5: memref<10000x128xf32, #tpu.memory_space<hbm>>, %arg6: memref<20000x128xf32, #tpu.memory_space<hbm>>, %arg7: memref<80xi32, #tpu.memory_space<vmem>>, %arg8: memref<80xi32, #tpu.memory_space<vmem>>, %arg9: memref<80x128xf32, #tpu.memory_space<vmem>>, %arg10: memref<10000x128xf32, #tpu.memory_space<vmem_shared>>, %arg11: memref<!tpu.dma_semaphore, #tpu.memory_space<semaphore_mem>>) attributes {dimension_semantics = [#tpu.dimension_semantics<core_parallel>, #tpu.dimension_semantics<subcore_parallel>], iteration_bounds = array<i64: 2, 16>, scalar_prefetch = 0 : i64, scratch_operands = 5 : i64, tpu.core_type = #tpu.core_type<sc_vector_subcore>, window_params = [{transform_indices = #map}, {transform_indices = #map1}, {transform_indices = #map1}, {transform_indices = #map}, {transform_indices = #map}]} {
    %mul3A = arith.constant 632 : i32
    %mul3A_0 = arith.muli %arg1, %mul3A : i32
    %min3A = arith.constant 9368 : i32
    %min3A_1 = arith.minsi %mul3A_0, %min3A : i32
    %multiple_of3A = tpu.assume_multiple %min3A_1, 8 : i32
    "tpu.region"() ({
      %run_scoped3A = tpu.sem_alloc : memref<!tpu.dma_semaphore, #tpu.memory_space<semaphore_mem>>
      %dma_start3A = arith.constant 0 : i32
      %dma_start3A_14 = tpu.memref_slice %arg10[%multiple_of3A, %dma_start3A] : memref<10000x128xf32, #tpu.memory_space<vmem_shared>> -> memref<632x128xf32, #tpu.memory_space<vmem_shared>>
      %dma_start3A_15 = arith.constant 0 : i32
      %dma_start3A_16 = tpu.memref_slice %arg5[%multiple_of3A, %dma_start3A_15] : memref<10000x128xf32, #tpu.memory_space<hbm>> -> memref<632x128xf32, #tpu.memory_space<hbm>>
      tpu.enqueue_dma source(%dma_start3A_16 : memref<632x128xf32, #tpu.memory_space<hbm>>) target(%dma_start3A_14 : memref<632x128xf32, #tpu.memory_space<vmem_shared>>) target_semaphore(%run_scoped3A : memref<!tpu.dma_semaphore, #tpu.memory_space<semaphore_mem>>)
      %dma_wait3A = arith.constant 0 : i32
      %dma_wait3A_17 = tpu.memref_slice %arg10[%multiple_of3A, %dma_wait3A] : memref<10000x128xf32, #tpu.memory_space<vmem_shared>> -> memref<632x128xf32, #tpu.memory_space<vmem_shared>>
      %dma_wait3A_18 = arith.constant 0 : i32
      %dma_wait3A_19 = tpu.memref_slice %arg5[%multiple_of3A, %dma_wait3A_18] : memref<10000x128xf32, #tpu.memory_space<hbm>> -> memref<632x128xf32, #tpu.memory_space<hbm>>
      tpu.wait_dma2 semaphore(%run_scoped3A : memref<!tpu.dma_semaphore, #tpu.memory_space<semaphore_mem>>) src(%dma_wait3A_19 : memref<632x128xf32, #tpu.memory_space<hbm>>) dst(%dma_wait3A_17 : memref<632x128xf32, #tpu.memory_space<vmem_shared>>)
      tpu.yield
    }) : () -> ()
    %barrier3A = arith.constant 0 : index
    tpu.barrier barrier_id(%barrier3A)
    %mul3A_2 = arith.constant 16 : i32
    %mul3A_3 = arith.muli %arg0, %mul3A_2 : i32
    %add3A = arith.addi %mul3A_3, %arg1 : i32
    %mul3A_4 = arith.constant 10000 : i32
    %mul3A_5 = arith.muli %add3A, %mul3A_4 : i32
    %scan3A = arith.constant 0 : i32
    %scan3A_6 = arith.constant 125 : i32
    %scan3A_7 = arith.addi %scan3A, %scan3A_6 : i32
    %scan3A_8 = arith.constant 1 : i32
    scf.for %scan3A_14 = %scan3A to %scan3A_7 step %scan3A_8  : i32 {
      %mul3A_15 = arith.constant 80 : i32
      %mul3A_16 = arith.muli %scan3A_14, %mul3A_15 : i32
      %add3A_17 = arith.constant 0 : i32
      %add3A_18 = arith.addi %add3A_17, %mul3A_16 : i32
      %add3A_19 = arith.addi %mul3A_5, %add3A_18 : i32
      "tpu.region"() ({
        %run_scoped3A = tpu.sem_alloc : memref<!tpu.dma_semaphore, #tpu.memory_space<semaphore_mem>>
        %dma_start3A_25 = tpu.memref_slice %arg3[%add3A_19] : memref<320000xi32, #tpu.memory_space<hbm>> -> memref<80xi32, #tpu.memory_space<hbm>>
        %dma_start3A_26 = tpu.memref_slice %arg3[%add3A_19] : memref<320000xi32, #tpu.memory_space<hbm>> -> memref<80xi32, #tpu.memory_space<hbm>>
        tpu.enqueue_dma source(%dma_start3A_26 : memref<80xi32, #tpu.memory_space<hbm>>) target(%arg7 : memref<80xi32, #tpu.memory_space<vmem>>) target_semaphore(%run_scoped3A : memref<!tpu.dma_semaphore, #tpu.memory_space<semaphore_mem>>)
        %dma_wait3A_27 = tpu.memref_slice %arg3[%add3A_19] : memref<320000xi32, #tpu.memory_space<hbm>> -> memref<80xi32, #tpu.memory_space<hbm>>
        %dma_wait3A_28 = tpu.memref_slice %arg3[%add3A_19] : memref<320000xi32, #tpu.memory_space<hbm>> -> memref<80xi32, #tpu.memory_space<hbm>>
        tpu.wait_dma2 semaphore(%run_scoped3A : memref<!tpu.dma_semaphore, #tpu.memory_space<semaphore_mem>>) src(%dma_wait3A_28 : memref<80xi32, #tpu.memory_space<hbm>>) dst(%arg7 : memref<80xi32, #tpu.memory_space<vmem>>)
        tpu.yield
      }) : () -> ()
      %add3A_20 = arith.addi %mul3A_5, %add3A_18 : i32
      "tpu.region"() ({
        %run_scoped3A = tpu.sem_alloc : memref<!tpu.dma_semaphore, #tpu.memory_space<semaphore_mem>>
        %dma_start3A_25 = tpu.memref_slice %arg4[%add3A_20] : memref<320000xi32, #tpu.memory_space<hbm>> -> memref<80xi32, #tpu.memory_space<hbm>>
        %dma_start3A_26 = tpu.memref_slice %arg4[%add3A_20] : memref<320000xi32, #tpu.memory_space<hbm>> -> memref<80xi32, #tpu.memory_space<hbm>>
        tpu.enqueue_dma source(%dma_start3A_26 : memref<80xi32, #tpu.memory_space<hbm>>) target(%arg8 : memref<80xi32, #tpu.memory_space<vmem>>) target_semaphore(%run_scoped3A : memref<!tpu.dma_semaphore, #tpu.memory_space<semaphore_mem>>)
        %dma_wait3A_27 = tpu.memref_slice %arg4[%add3A_20] : memref<320000xi32, #tpu.memory_space<hbm>> -> memref<80xi32, #tpu.memory_space<hbm>>
        %dma_wait3A_28 = tpu.memref_slice %arg4[%add3A_20] : memref<320000xi32, #tpu.memory_space<hbm>> -> memref<80xi32, #tpu.memory_space<hbm>>
        tpu.wait_dma2 semaphore(%run_scoped3A : memref<!tpu.dma_semaphore, #tpu.memory_space<semaphore_mem>>) src(%dma_wait3A_28 : memref<80xi32, #tpu.memory_space<hbm>>) dst(%arg8 : memref<80xi32, #tpu.memory_space<vmem>>)
        tpu.yield
      }) : () -> ()
      %dma_start3A = arith.constant 0 : i32
      %dma_start3A_21 = arith.constant 0 : i32
      %dma_start3A_22 = tpu.memref_slice %arg2[%dma_start3A, %dma_start3A_21] : memref<10000x128xf32, #tpu.memory_space<hbm>> -> memref<10000x128xf32, #tpu.memory_space<hbm>>
      tpu.enqueue_indirect_dma source(%dma_start3A_22 : memref<10000x128xf32, #tpu.memory_space<hbm>>) target(%arg9 : memref<80x128xf32, #tpu.memory_space<vmem>>) offsets(%arg7 : memref<80xi32, #tpu.memory_space<vmem>>) semaphore(%arg11 : memref<!tpu.dma_semaphore, #tpu.memory_space<semaphore_mem>>)
      %dma_wait3A = arith.constant 0 : i32
      %dma_wait3A_23 = arith.constant 0 : i32
      %dma_wait3A_24 = tpu.memref_slice %arg2[%dma_wait3A, %dma_wait3A_23] : memref<10000x128xf32, #tpu.memory_space<hbm>> -> memref<10000x128xf32, #tpu.memory_space<hbm>>
      tpu.wait_indirect_dma semaphore(%arg11 : memref<!tpu.dma_semaphore, #tpu.memory_space<semaphore_mem>>) src(%dma_wait3A_24 : memref<10000x128xf32, #tpu.memory_space<hbm>>) dst(%arg9 : memref<80x128xf32, #tpu.memory_space<vmem>>)
      "tpu.region"() ({
        %run_scoped3A = tpu.sem_alloc : memref<!tpu.dma_semaphore, #tpu.memory_space<semaphore_mem>>
        %dma_start3A_25 = arith.constant 0 : i32
        %dma_start3A_26 = arith.constant 0 : i32
        %dma_start3A_27 = tpu.memref_slice %arg10[%dma_start3A_25, %dma_start3A_26] : memref<10000x128xf32, #tpu.memory_space<vmem_shared>> -> memref<10000x128xf32, #tpu.memory_space<vmem_shared>>
        tpu.enqueue_indirect_dma source(%arg9 : memref<80x128xf32, #tpu.memory_space<vmem>>) target(%dma_start3A_27 : memref<10000x128xf32, #tpu.memory_space<vmem_shared>>) offsets(%arg8 : memref<80xi32, #tpu.memory_space<vmem>>) semaphore(%run_scoped3A : memref<!tpu.dma_semaphore, #tpu.memory_space<semaphore_mem>>) {add = true}
        %dma_wait3A_28 = arith.constant 0 : i32
        %dma_wait3A_29 = arith.constant 0 : i32
        %dma_wait3A_30 = tpu.memref_slice %arg10[%dma_wait3A_28, %dma_wait3A_29] : memref<10000x128xf32, #tpu.memory_space<vmem_shared>> -> memref<10000x128xf32, #tpu.memory_space<vmem_shared>>
        tpu.wait_indirect_dma semaphore(%run_scoped3A : memref<!tpu.dma_semaphore, #tpu.memory_space<semaphore_mem>>) src(%arg9 : memref<80x128xf32, #tpu.memory_space<vmem>>) dst(%dma_wait3A_30 : memref<10000x128xf32, #tpu.memory_space<vmem_shared>>)
        tpu.yield
      }) : () -> ()
    }
    %scan3A_9 = arith.constant 125 : i32
    %barrier3A_10 = arith.constant 0 : index
    tpu.barrier barrier_id(%barrier3A_10)
    %mul3A_11 = arith.constant 10000 : i32
    %mul3A_12 = arith.muli %arg0, %mul3A_11 : i32
    %add3A_13 = arith.addi %mul3A_12, %multiple_of3A : i32
    "tpu.region"() ({
      %run_scoped3A = tpu.sem_alloc : memref<!tpu.dma_semaphore, #tpu.memory_space<semaphore_mem>>
      %dma_start3A = arith.constant 0 : i32
      %dma_start3A_14 = tpu.memref_slice %arg6[%add3A_13, %dma_start3A] : memref<20000x128xf32, #tpu.memory_space<hbm>> -> memref<632x128xf32, #tpu.memory_space<hbm>>
      %dma_start3A_15 = arith.constant 0 : i32
      %dma_start3A_16 = tpu.memref_slice %arg10[%multiple_of3A, %dma_start3A_15] : memref<10000x128xf32, #tpu.memory_space<vmem_shared>> -> memref<632x128xf32, #tpu.memory_space<vmem_shared>>
      tpu.enqueue_dma source(%dma_start3A_16 : memref<632x128xf32, #tpu.memory_space<vmem_shared>>) target(%dma_start3A_14 : memref<632x128xf32, #tpu.memory_space<hbm>>) target_semaphore(%run_scoped3A : memref<!tpu.dma_semaphore, #tpu.memory_space<semaphore_mem>>)
      %dma_wait3A = arith.constant 0 : i32
      %dma_wait3A_17 = tpu.memref_slice %arg6[%add3A_13, %dma_wait3A] : memref<20000x128xf32, #tpu.memory_space<hbm>> -> memref<632x128xf32, #tpu.memory_space<hbm>>
      %dma_wait3A_18 = arith.constant 0 : i32
      %dma_wait3A_19 = tpu.memref_slice %arg10[%multiple_of3A, %dma_wait3A_18] : memref<10000x128xf32, #tpu.memory_space<vmem_shared>> -> memref<632x128xf32, #tpu.memory_space<vmem_shared>>
      tpu.wait_dma2 semaphore(%run_scoped3A : memref<!tpu.dma_semaphore, #tpu.memory_space<semaphore_mem>>) src(%dma_wait3A_19 : memref<632x128xf32, #tpu.memory_space<vmem_shared>>) dst(%dma_wait3A_17 : memref<632x128xf32, #tpu.memory_space<hbm>>)
      tpu.yield
    }) : () -> ()
    return
  }
}

module attributes {stable_mosaic.version = 14 : i64} {
  func.func @body(%arg0: i32, %arg1: memref<1000x128xf32, #tpu.memory_space<vmem>>, %arg2: memref<1000x128xf32, #tpu.memory_space<vmem>>, %arg3: memref<1000x128xf32, #tpu.memory_space<vmem>>, %arg4: memref<128x128xf32, #tpu.memory_space<vmem>>, %arg5: memref<1000x128xf32, #tpu.memory_space<vmem>>, %arg6: memref<1000x128xf32, #tpu.memory_space<vmem>>) attributes {dimension_semantics = [#tpu.dimension_semantics<arbitrary>], iteration_bounds = array<i64: 10>, scalar_prefetch = 0 : i64, scratch_operands = 0 : i64, tpu.core_type = #tpu.core_type<tc>, window_params = [{transform_indices = @transform_0, window_bounds = array<i64: 1000, 128>}, {transform_indices = @transform_1, window_bounds = array<i64: 1000, 128>}, {transform_indices = @transform_2, window_bounds = array<i64: 1000, 128>}, {pipeline_mode = #tpu.pipeline_mode<synchronous>, transform_indices = @transform_3, window_bounds = array<i64: 128, 128>}, {transform_indices = @transform_4, window_bounds = array<i64: 1000, 128>}, {transform_indices = @transform_5, window_bounds = array<i64: 1000, 128>}]} {
    %get3A = arith.constant 0 : index
    %get3A_0 = arith.constant 0 : index
    %get3A_1 = vector.load %arg1[%get3A, %get3A_0] : memref<1000x128xf32, #tpu.memory_space<vmem>>, vector<1000x1xf32>
    %get3A_2 = arith.constant 0 : index
    %get3A_3 = arith.constant 0 : index
    %get3A_4 = vector.load %arg2[%get3A_2, %get3A_3] : memref<1000x128xf32, #tpu.memory_space<vmem>>, vector<1000x1xf32>
    %add3A = arith.addf %get3A_1, %get3A_4 : vector<1000x1xf32>
    %add3A_5 = arith.constant 1.000000e+00 : f32
    %add3A_6 = vector.broadcast %add3A_5 : f32 to vector<1000x1xf32>
    %add3A_7 = arith.addf %add3A, %add3A_6 : vector<1000x1xf32>
    %rsqrt3A = math.rsqrt %add3A_7 : vector<1000x1xf32>
    %broadcast_in_dim3A = vector.shape_cast %rsqrt3A : vector<1000x1xf32> to vector<1000x1xf32>
    %broadcast_in_dim3A_8 = vector.broadcast %broadcast_in_dim3A : vector<1000x1xf32> to vector<1000x128xf32>
    %swap3A = arith.constant 0 : index
    %swap3A_9 = arith.constant 0 : index
    %swap3A_10 = vector.load %arg5[%swap3A, %swap3A_9] : memref<1000x128xf32, #tpu.memory_space<vmem>>, vector<1000x128xf32>
    tpu.vector_store %arg5[%swap3A, %swap3A_9], %broadcast_in_dim3A_8 {strides = array<i32>} : memref<1000x128xf32, #tpu.memory_space<vmem>>, vector<1000x128xf32>,
    %get3A_11 = arith.constant 0 : index
    %get3A_12 = arith.constant 0 : index
    %get3A_13 = vector.load %arg3[%get3A_11, %get3A_12] : memref<1000x128xf32, #tpu.memory_space<vmem>>, vector<1000x128xf32>
    %get3A_14 = arith.constant 0 : index
    %get3A_15 = arith.constant 0 : index
    %get3A_16 = vector.load %arg4[%get3A_14, %get3A_15] : memref<128x128xf32, #tpu.memory_space<vmem>>, vector<128x128xf32>
    %dot_general3A = arith.constant dense<0.000000e+00> : vector<1000x128xf32>
    %dot_general3A_17 = tpu.matmul %get3A_13, %get3A_16, %dot_general3A {dimension_numbers = #tpu.dot_dimension_numbers<[1], [0], [0], [1], [0, 0, 1, 1], [], []>, transpose_lhs_hint = false} : vector<1000x128xf32>, vector<128x128xf32>, vector<1000x128xf32> -> vector<1000x128xf32>
    %mul3A = arith.mulf %dot_general3A_17, %broadcast_in_dim3A_8 : vector<1000x128xf32>
    %swap3A_18 = arith.constant 0 : index
    %swap3A_19 = arith.constant 0 : index
    %swap3A_20 = vector.load %arg6[%swap3A_18, %swap3A_19] : memref<1000x128xf32, #tpu.memory_space<vmem>>, vector<1000x128xf32>
    tpu.vector_store %arg6[%swap3A_18, %swap3A_19], %mul3A {strides = array<i32>} : memref<1000x128xf32, #tpu.memory_space<vmem>>, vector<1000x128xf32>,
    return
  }
  func.func @transform_0(%arg0: i32) -> (i32, i32) {
    %c0_i32 = arith.constant 0 : i32
    %c0_i32_0 = arith.constant 0 : i32
    return %arg0, %c0_i32 : i32, i32
  }
  func.func @transform_1(%arg0: i32) -> (i32, i32) {
    %add3A = arith.constant 10 : i32
    %add3A_0 = arith.addi %arg0, %add3A : i32
    %c0_i32 = arith.constant 0 : i32
    %c0_i32_1 = arith.constant 0 : i32
    return %add3A_0, %c0_i32 : i32, i32
  }
  func.func @transform_2(%arg0: i32) -> (i32, i32) {
    %c0_i32 = arith.constant 0 : i32
    %c0_i32_0 = arith.constant 0 : i32
    return %arg0, %c0_i32 : i32, i32
  }
  func.func @transform_3(%arg0: i32) -> (i32, i32) {
    %c0_i32 = arith.constant 0 : i32
    %c0_i32_0 = arith.constant 0 : i32
    %c0_i32_1 = arith.constant 0 : i32
    return %c0_i32, %c0_i32_0 : i32, i32
  }
  func.func @transform_4(%arg0: i32) -> (i32, i32) {
    %c0_i32 = arith.constant 0 : i32
    %c0_i32_0 = arith.constant 0 : i32
    return %arg0, %c0_i32 : i32, i32
  }
  func.func @transform_5(%arg0: i32) -> (i32, i32) {
    %c0_i32 = arith.constant 0 : i32
    %c0_i32_0 = arith.constant 0 : i32
    return %arg0, %c0_i32 : i32, i32
  }
}

module attributes {stable_mosaic.version = 14 : i64} {
  func.func @body(%arg0: i32, %arg1: memref<1000x128xf32, #tpu.memory_space<vmem>>, %arg2: memref<1000x128xf32, #tpu.memory_space<vmem>>, %arg3: memref<1000x128xf32, #tpu.memory_space<vmem>>, %arg4: memref<1000x128xf32, #tpu.memory_space<vmem>>, %arg5: memref<1x128xf32, #tpu.memory_space<vmem>>, %arg6: memref<128x128xf32, #tpu.memory_space<vmem>>, %arg7: memref<1000x128xf32, #tpu.memory_space<vmem>>) attributes {dimension_semantics = [#tpu.dimension_semantics<arbitrary>], iteration_bounds = array<i64: 10>, scalar_prefetch = 0 : i64, scratch_operands = 0 : i64, tpu.core_type = #tpu.core_type<tc>, window_params = [{transform_indices = @transform_0, window_bounds = array<i64: 1000, 128>}, {transform_indices = @transform_1, window_bounds = array<i64: 1000, 128>}, {transform_indices = @transform_2, window_bounds = array<i64: 1000, 128>}, {transform_indices = @transform_3, window_bounds = array<i64: 1000, 128>}, {pipeline_mode = #tpu.pipeline_mode<synchronous>, transform_indices = @transform_4, window_bounds = array<i64: 1, 128>}, {pipeline_mode = #tpu.pipeline_mode<synchronous>, transform_indices = @transform_5, window_bounds = array<i64: 128, 128>}, {transform_indices = @transform_6, window_bounds = array<i64: 1000, 128>}]} {
    %get3A = arith.constant 0 : index
    %get3A_0 = arith.constant 0 : index
    %get3A_1 = vector.load %arg1[%get3A, %get3A_0] : memref<1000x128xf32, #tpu.memory_space<vmem>>, vector<1000x128xf32>
    %get3A_2 = arith.constant 0 : index
    %get3A_3 = arith.constant 0 : index
    %get3A_4 = vector.load %arg2[%get3A_2, %get3A_3] : memref<1000x128xf32, #tpu.memory_space<vmem>>, vector<1000x128xf32>
    %add3A = arith.addf %get3A_1, %get3A_4 : vector<1000x128xf32>
    %get3A_5 = arith.constant 0 : index
    %get3A_6 = arith.constant 0 : index
    %get3A_7 = vector.load %arg3[%get3A_5, %get3A_6] : memref<1000x128xf32, #tpu.memory_space<vmem>>, vector<1000x128xf32>
    %add3A_8 = arith.addf %add3A, %get3A_7 : vector<1000x128xf32>
    %get3A_9 = arith.constant 0 : index
    %get3A_10 = arith.constant 0 : index
    %get3A_11 = vector.load %arg4[%get3A_9, %get3A_10] : memref<1000x128xf32, #tpu.memory_space<vmem>>, vector<1000x128xf32>
    %mul3A = arith.mulf %add3A_8, %get3A_11 : vector<1000x128xf32>
    %get3A_12 = arith.constant 0 : index
    %get3A_13 = arith.constant 0 : index
    %get3A_14 = vector.load %arg5[%get3A_12, %get3A_13] : memref<1x128xf32, #tpu.memory_space<vmem>>, vector<1x128xf32>
    %add3A_15 = vector.broadcast %get3A_14 : vector<1x128xf32> to vector<1000x128xf32>
    %add3A_16 = arith.addf %mul3A, %add3A_15 : vector<1000x128xf32>
    %max3A = arith.constant 0.000000e+00 : f32
    %max3A_17 = vector.broadcast %max3A : f32 to vector<1000x128xf32>
    %max3A_18 = arith.maximumf %add3A_16, %max3A_17 : vector<1000x128xf32>
    %get3A_19 = arith.constant 0 : index
    %get3A_20 = arith.constant 0 : index
    %get3A_21 = vector.load %arg6[%get3A_19, %get3A_20] : memref<128x128xf32, #tpu.memory_space<vmem>>, vector<128x128xf32>
    %dot_general3A = arith.constant dense<0.000000e+00> : vector<1000x128xf32>
    %dot_general3A_22 = tpu.matmul %max3A_18, %get3A_21, %dot_general3A {dimension_numbers = #tpu.dot_dimension_numbers<[1], [0], [0], [1], [0, 0, 1, 1], [], []>, transpose_lhs_hint = false} : vector<1000x128xf32>, vector<128x128xf32>, vector<1000x128xf32> -> vector<1000x128xf32>
    %get3A_23 = arith.constant 0 : index
    %get3A_24 = arith.constant 0 : index
    %get3A_25 = vector.load %arg4[%get3A_23, %get3A_24] : memref<1000x128xf32, #tpu.memory_space<vmem>>, vector<1000x128xf32>
    %mul3A_26 = arith.mulf %dot_general3A_22, %get3A_25 : vector<1000x128xf32>
    %swap3A = arith.constant 0 : index
    %swap3A_27 = arith.constant 0 : index
    %swap3A_28 = vector.load %arg7[%swap3A, %swap3A_27] : memref<1000x128xf32, #tpu.memory_space<vmem>>, vector<1000x128xf32>
    tpu.vector_store %arg7[%swap3A, %swap3A_27], %mul3A_26 {strides = array<i32>} : memref<1000x128xf32, #tpu.memory_space<vmem>>, vector<1000x128xf32>,
    return
  }
  func.func @transform_0(%arg0: i32) -> (i32, i32) {
    %c0_i32 = arith.constant 0 : i32
    %c0_i32_0 = arith.constant 0 : i32
    return %arg0, %c0_i32 : i32, i32
  }
  func.func @transform_1(%arg0: i32) -> (i32, i32) {
    %add3A = arith.constant 10 : i32
    %add3A_0 = arith.addi %arg0, %add3A : i32
    %c0_i32 = arith.constant 0 : i32
    %c0_i32_1 = arith.constant 0 : i32
    return %add3A_0, %c0_i32 : i32, i32
  }
  func.func @transform_2(%arg0: i32) -> (i32, i32) {
    %c0_i32 = arith.constant 0 : i32
    %c0_i32_0 = arith.constant 0 : i32
    return %arg0, %c0_i32 : i32, i32
  }
  func.func @transform_3(%arg0: i32) -> (i32, i32) {
    %c0_i32 = arith.constant 0 : i32
    %c0_i32_0 = arith.constant 0 : i32
    return %arg0, %c0_i32 : i32, i32
  }
  func.func @transform_4(%arg0: i32) -> (i32, i32) {
    %c0_i32 = arith.constant 0 : i32
    %c0_i32_0 = arith.constant 0 : i32
    %c0_i32_1 = arith.constant 0 : i32
    return %c0_i32, %c0_i32_0 : i32, i32
  }
  func.func @transform_5(%arg0: i32) -> (i32, i32) {
    %c0_i32 = arith.constant 0 : i32
    %c0_i32_0 = arith.constant 0 : i32
    %c0_i32_1 = arith.constant 0 : i32
    return %c0_i32, %c0_i32_0 : i32, i32
  }
  func.func @transform_6(%arg0: i32) -> (i32, i32) {
    %c0_i32 = arith.constant 0 : i32
    %c0_i32_0 = arith.constant 0 : i32
    return %arg0, %c0_i32 : i32, i32
  }
}

module attributes {stable_mosaic.version = 14 : i64} {
  func.func @body(%arg0: i32, %arg1: memref<1000x128xf32, #tpu.memory_space<vmem>>, %arg2: memref<1000x128xf32, #tpu.memory_space<vmem>>, %arg3: memref<1000x128xf32, #tpu.memory_space<vmem>>, %arg4: memref<1000x128xf32, #tpu.memory_space<vmem>>, %arg5: memref<1x128xf32, #tpu.memory_space<vmem>>, %arg6: memref<1x1x1000xi32, #tpu.memory_space<vmem>>, %arg7: memref<128x128xf32, #tpu.memory_space<vmem>>, %arg8: memref<1x128xf32, #tpu.memory_space<vmem>>, %arg9: memref<64x128xf32, #tpu.memory_space<vmem>>, %arg10: memref<64x128xf32, #tpu.memory_space<vmem>>, %arg11: memref<64x128xf32, #tpu.memory_space<vmem>>) attributes {dimension_semantics = [#tpu.dimension_semantics<arbitrary>], iteration_bounds = array<i64: 10>, scalar_prefetch = 0 : i64, scratch_operands = 2 : i64, tpu.core_type = #tpu.core_type<tc>, window_params = [{transform_indices = @transform_0, window_bounds = array<i64: 1000, 128>}, {transform_indices = @transform_1, window_bounds = array<i64: 1000, 128>}, {transform_indices = @transform_2, window_bounds = array<i64: 1000, 128>}, {transform_indices = @transform_3, window_bounds = array<i64: 1000, 128>}, {pipeline_mode = #tpu.pipeline_mode<synchronous>, transform_indices = @transform_4, window_bounds = array<i64: 1, 128>}, {transform_indices = @transform_5, window_bounds = array<i64: 1, 1, 1000>}, {pipeline_mode = #tpu.pipeline_mode<synchronous>, transform_indices = @transform_6, window_bounds = array<i64: 128, 128>}, {pipeline_mode = #tpu.pipeline_mode<synchronous>, transform_indices = @transform_7, window_bounds = array<i64: 1, 128>}, {pipeline_mode = #tpu.pipeline_mode<synchronous>, transform_indices = @transform_8, window_bounds = array<i64: 64, 128>}]} {
    %get3A = arith.constant 0 : index
    %get3A_0 = arith.constant 0 : index
    %get3A_1 = vector.load %arg1[%get3A, %get3A_0] : memref<1000x128xf32, #tpu.memory_space<vmem>>, vector<1000x128xf32>
    %get3A_2 = arith.constant 0 : index
    %get3A_3 = arith.constant 0 : index
    %get3A_4 = vector.load %arg2[%get3A_2, %get3A_3] : memref<1000x128xf32, #tpu.memory_space<vmem>>, vector<1000x128xf32>
    %add3A = arith.addf %get3A_1, %get3A_4 : vector<1000x128xf32>
    %get3A_5 = arith.constant 0 : index
    %get3A_6 = arith.constant 0 : index
    %get3A_7 = vector.load %arg3[%get3A_5, %get3A_6] : memref<1000x128xf32, #tpu.memory_space<vmem>>, vector<1000x128xf32>
    %add3A_8 = arith.addf %add3A, %get3A_7 : vector<1000x128xf32>
    %get3A_9 = arith.constant 0 : index
    %get3A_10 = arith.constant 0 : index
    %get3A_11 = vector.load %arg4[%get3A_9, %get3A_10] : memref<1000x128xf32, #tpu.memory_space<vmem>>, vector<1000x128xf32>
    %mul3A = arith.mulf %add3A_8, %get3A_11 : vector<1000x128xf32>
    %get3A_12 = arith.constant 0 : index
    %get3A_13 = arith.constant 0 : index
    %get3A_14 = vector.load %arg5[%get3A_12, %get3A_13] : memref<1x128xf32, #tpu.memory_space<vmem>>, vector<1x128xf32>
    %add3A_15 = vector.broadcast %get3A_14 : vector<1x128xf32> to vector<1000x128xf32>
    %add3A_16 = arith.addf %mul3A, %add3A_15 : vector<1000x128xf32>
    %max3A = arith.constant 0.000000e+00 : f32
    %max3A_17 = vector.broadcast %max3A : f32 to vector<1000x128xf32>
    %max3A_18 = arith.maximumf %add3A_16, %max3A_17 : vector<1000x128xf32>
    %get3A_19 = arith.constant 0 : index
    %get3A_20 = arith.constant 0 : index
    %get3A_21 = arith.constant 0 : index
    %get3A_22 = vector.load %arg6[%get3A_19, %get3A_20, %get3A_21] : memref<1x1x1000xi32, #tpu.memory_space<vmem>>, vector<1x1x1000xi32>
    %get3A_23 = vector.shape_cast %get3A_22 : vector<1x1x1000xi32> to vector<1x1000xi32>
    %iota3A = tpu.iota {dimensions = array<i32: 0>} : vector<64x1000xi32>
    %eq3A = vector.broadcast %get3A_23 : vector<1x1000xi32> to vector<64x1000xi32>
    %eq3A_24 = arith.cmpi eq, %eq3A, %iota3A : vector<64x1000xi32>
    %convert_element_type3A = arith.extui %eq3A_24 : vector<64x1000xi1> to vector<64x1000xi32>
    %convert_element_type3A_25 = arith.sitofp %convert_element_type3A : vector<64x1000xi32> to vector<64x1000xf32>
    %dot_general3A = arith.constant dense<0.000000e+00> : vector<64x128xf32>
    %dot_general3A_26 = tpu.matmul %convert_element_type3A_25, %max3A_18, %dot_general3A {dimension_numbers = #tpu.dot_dimension_numbers<[1], [0], [0], [1], [0, 0, 1, 1], [], []>, transpose_lhs_hint = false} : vector<64x1000xf32>, vector<1000x128xf32>, vector<64x128xf32> -> vector<64x128xf32>
    %reduce_sum3A = arith.constant dense<0.000000e+00> : vector<64xf32>
    %reduce_sum3A_27 = vector.multi_reduction <add>, %convert_element_type3A_25, %reduce_sum3A [1] : vector<64x1000xf32> to vector<64xf32>
    %broadcast_in_dim3A = vector.shape_cast %reduce_sum3A_27 : vector<64xf32> to vector<64x1xf32>
    %eq3A_28 = arith.constant 0 : i32
    %eq3A_29 = arith.cmpi eq, %arg0, %eq3A_28 : i32
    %convert_element_type3A_30 = arith.extui %eq3A_29 : i1 to i32
    %cond3A = arith.constant 0 : i32
    %cond3A_31 = arith.cmpi ne, %convert_element_type3A_30, %cond3A : i32
    scf.if %cond3A_31 {
      %broadcast_in_dim3A_52 = arith.constant 0.000000e+00 : f32
      %broadcast_in_dim3A_53 = vector.broadcast %broadcast_in_dim3A_52 : f32 to vector<64x128xf32>
      %swap3A_54 = arith.constant 0 : index
      %swap3A_55 = arith.constant 0 : index
      %swap3A_56 = vector.load %arg10[%swap3A_54, %swap3A_55] : memref<64x128xf32, #tpu.memory_space<vmem>>, vector<64x128xf32>
      tpu.vector_store %arg10[%swap3A_54, %swap3A_55], %broadcast_in_dim3A_53 {strides = array<i32>} : memref<64x128xf32, #tpu.memory_space<vmem>>, vector<64x128xf32>,
      %broadcast_in_dim3A_57 = arith.constant 0.000000e+00 : f32
      %broadcast_in_dim3A_58 = vector.broadcast %broadcast_in_dim3A_57 : f32 to vector<64x128xf32>
      %swap3A_59 = arith.constant 0 : index
      %swap3A_60 = arith.constant 0 : index
      %swap3A_61 = vector.load %arg11[%swap3A_59, %swap3A_60] : memref<64x128xf32, #tpu.memory_space<vmem>>, vector<64x128xf32>
      tpu.vector_store %arg11[%swap3A_59, %swap3A_60], %broadcast_in_dim3A_58 {strides = array<i32>} : memref<64x128xf32, #tpu.memory_space<vmem>>, vector<64x128xf32>,
    } else {
    }
    %get3A_32 = arith.constant 0 : index
    %get3A_33 = arith.constant 0 : index
    %get3A_34 = vector.load %arg10[%get3A_32, %get3A_33] : memref<64x128xf32, #tpu.memory_space<vmem>>, vector<64x128xf32>
    %add3A_35 = arith.addf %get3A_34, %dot_general3A_26 : vector<64x128xf32>
    %swap3A = arith.constant 0 : index
    %swap3A_36 = arith.constant 0 : index
    %swap3A_37 = vector.load %arg10[%swap3A, %swap3A_36] : memref<64x128xf32, #tpu.memory_space<vmem>>, vector<64x128xf32>
    tpu.vector_store %arg10[%swap3A, %swap3A_36], %add3A_35 {strides = array<i32>} : memref<64x128xf32, #tpu.memory_space<vmem>>, vector<64x128xf32>,
    %get3A_38 = arith.constant 0 : index
    %get3A_39 = arith.constant 0 : index
    %get3A_40 = vector.load %arg11[%get3A_38, %get3A_39] : memref<64x128xf32, #tpu.memory_space<vmem>>, vector<64x128xf32>
    %broadcast_in_dim3A_41 = vector.shape_cast %broadcast_in_dim3A : vector<64x1xf32> to vector<64x1xf32>
    %broadcast_in_dim3A_42 = vector.broadcast %broadcast_in_dim3A_41 : vector<64x1xf32> to vector<64x128xf32>
    %add3A_43 = arith.addf %get3A_40, %broadcast_in_dim3A_42 : vector<64x128xf32>
    %swap3A_44 = arith.constant 0 : index
    %swap3A_45 = arith.constant 0 : index
    %swap3A_46 = vector.load %arg11[%swap3A_44, %swap3A_45] : memref<64x128xf32, #tpu.memory_space<vmem>>, vector<64x128xf32>
    tpu.vector_store %arg11[%swap3A_44, %swap3A_45], %add3A_43 {strides = array<i32>} : memref<64x128xf32, #tpu.memory_space<vmem>>, vector<64x128xf32>,
    %eq3A_47 = arith.constant 9 : i32
    %eq3A_48 = arith.cmpi eq, %arg0, %eq3A_47 : i32
    %convert_element_type3A_49 = arith.extui %eq3A_48 : i1 to i32
    %cond3A_50 = arith.constant 0 : i32
    %cond3A_51 = arith.cmpi ne, %convert_element_type3A_49, %cond3A_50 : i32
    scf.if %cond3A_51 {
      %get3A_52 = arith.constant 0 : index
      %get3A_53 = arith.constant 0 : index
      %get3A_54 = vector.load %arg10[%get3A_52, %get3A_53] : memref<64x128xf32, #tpu.memory_space<vmem>>, vector<64x128xf32>
      %get3A_55 = arith.constant 0 : index
      %get3A_56 = arith.constant 0 : index
      %get3A_57 = vector.load %arg11[%get3A_55, %get3A_56] : memref<64x128xf32, #tpu.memory_space<vmem>>, vector<64x128xf32>
      %max3A_58 = arith.constant 1.000000e+00 : f32
      %max3A_59 = vector.broadcast %max3A_58 : f32 to vector<64x128xf32>
      %max3A_60 = arith.maximumf %get3A_57, %max3A_59 : vector<64x128xf32>
      %div3A = arith.divf %get3A_54, %max3A_60 : vector<64x128xf32>
      %get3A_61 = arith.constant 0 : index
      %get3A_62 = arith.constant 0 : index
      %get3A_63 = vector.load %arg7[%get3A_61, %get3A_62] : memref<128x128xf32, #tpu.memory_space<vmem>>, vector<128x128xf32>
      %dot_general3A_64 = arith.constant dense<0.000000e+00> : vector<64x128xf32>
      %dot_general3A_65 = tpu.matmul %div3A, %get3A_63, %dot_general3A_64 {dimension_numbers = #tpu.dot_dimension_numbers<[1], [0], [0], [1], [0, 0, 1, 1], [], []>, transpose_lhs_hint = false} : vector<64x128xf32>, vector<128x128xf32>, vector<64x128xf32> -> vector<64x128xf32>
      %get3A_66 = arith.constant 0 : index
      %get3A_67 = arith.constant 0 : index
      %get3A_68 = vector.load %arg8[%get3A_66, %get3A_67] : memref<1x128xf32, #tpu.memory_space<vmem>>, vector<1x128xf32>
      %add3A_69 = vector.broadcast %get3A_68 : vector<1x128xf32> to vector<64x128xf32>
      %add3A_70 = arith.addf %dot_general3A_65, %add3A_69 : vector<64x128xf32>
      %swap3A_71 = arith.constant 0 : index
      %swap3A_72 = arith.constant 0 : index
      %swap3A_73 = vector.load %arg9[%swap3A_71, %swap3A_72] : memref<64x128xf32, #tpu.memory_space<vmem>>, vector<64x128xf32>
      tpu.vector_store %arg9[%swap3A_71, %swap3A_72], %add3A_70 {strides = array<i32>} : memref<64x128xf32, #tpu.memory_space<vmem>>, vector<64x128xf32>,
    } else {
    }
    return
  }
  func.func @transform_0(%arg0: i32) -> (i32, i32) {
    %c0_i32 = arith.constant 0 : i32
    %c0_i32_0 = arith.constant 0 : i32
    return %arg0, %c0_i32 : i32, i32
  }
  func.func @transform_1(%arg0: i32) -> (i32, i32) {
    %add3A = arith.constant 10 : i32
    %add3A_0 = arith.addi %arg0, %add3A : i32
    %c0_i32 = arith.constant 0 : i32
    %c0_i32_1 = arith.constant 0 : i32
    return %add3A_0, %c0_i32 : i32, i32
  }
  func.func @transform_2(%arg0: i32) -> (i32, i32) {
    %c0_i32 = arith.constant 0 : i32
    %c0_i32_0 = arith.constant 0 : i32
    return %arg0, %c0_i32 : i32, i32
  }
  func.func @transform_3(%arg0: i32) -> (i32, i32) {
    %c0_i32 = arith.constant 0 : i32
    %c0_i32_0 = arith.constant 0 : i32
    return %arg0, %c0_i32 : i32, i32
  }
  func.func @transform_4(%arg0: i32) -> (i32, i32) {
    %c0_i32 = arith.constant 0 : i32
    %c0_i32_0 = arith.constant 0 : i32
    %c0_i32_1 = arith.constant 0 : i32
    return %c0_i32, %c0_i32_0 : i32, i32
  }
  func.func @transform_5(%arg0: i32) -> (i32, i32, i32) {
    %c0_i32 = arith.constant 0 : i32
    %c0_i32_0 = arith.constant 0 : i32
    %c0_i32_1 = arith.constant 0 : i32
    return %arg0, %c0_i32, %c0_i32_0 : i32, i32, i32
  }
  func.func @transform_6(%arg0: i32) -> (i32, i32) {
    %c0_i32 = arith.constant 0 : i32
    %c0_i32_0 = arith.constant 0 : i32
    %c0_i32_1 = arith.constant 0 : i32
    return %c0_i32, %c0_i32_0 : i32, i32
  }
  func.func @transform_7(%arg0: i32) -> (i32, i32) {
    %c0_i32 = arith.constant 0 : i32
    %c0_i32_0 = arith.constant 0 : i32
    %c0_i32_1 = arith.constant 0 : i32
    return %c0_i32, %c0_i32_0 : i32, i32
  }
  func.func @transform_8(%arg0: i32) -> (i32, i32) {
    %c0_i32 = arith.constant 0 : i32
    %c0_i32_0 = arith.constant 0 : i32
    %c0_i32_1 = arith.constant 0 : i32
    return %c0_i32, %c0_i32_0 : i32, i32
  }
}

</mosaic_0001>

<sc_bundles>
// kernel: kernel.10.cloned.1.call-start
scs
__scs_entry_jumppad:
0x0: {  	(pc) =	sbr.rel $0x88, $3  }
0x1: {  	(tag) =	ssettag $0x0;
	lr =	simm.s32 $0x1  }
0x2: {  	[smem:$0x3F96] =	sst lr;
	_ =	strace $0xD0000000  }
0x3: {  	_ = 	snop  }
0x4: {  	_ = 	snop  }
0x5: {  	_ = 	snop  }
0x6: {  	_ = 	snop  }
0x7: {  	_ = 	snop  }
__scs_overlays_trampoline_lowered:
0x8: {  	[smem:$0x3FA5] =	sst s0  }
0x9: {  	[smem:$0x3FA6] =	sst s1  }
0xa: {  	[smem:$0x3FA7] =	sst s2  }
0xb: {  	[smem:$0x3FA8] =	sst s3  }
0xc: {  	[smem:$0x3FA9] =	sst s4  }
0xd: {  	[smem:$0x3FAA] =	sst s5  }
0xe: {  	[smem:$0x3FAB] =	sst s6  }
0xf: {  	[smem:$0x3FAC] =	sst s7  }
0x10: {  	[smem:$0x3FAD] =	sst s8  }
0x11: {  	[smem:$0x3FAE] =	sst s9;
	s0 =	simm.s32 @!p0 $0x0  }
0x12: {  	s1 =	sld [smem:$0x3F94];
	s0 =	simm.s32 @p0 $0x1  }
0x13: {  	[smem:$0x3FAF] =	sst s0;
	s0 =	simm.s32 @!p1 $0x0  }
0x14: {  	s2 =	sld [smem:$0x3F93];
	s0 =	simm.s32 @p1 $0x1  }
0x15: {  	[smem:$0x3FB0] =	sst s0;
	s0 =	simm.s32 @!p2 $0x0  }
0x16: {  	s3 =	sld [smem:$0x3FDB];
	s0 =	simm.s32 @p2 $0x1  }
0x17: {  	s4 =	simm.s32 $0x1BF5;
	[smem:$0x3FB2] =	sst s0  }
0x18: {  	s0 =	sld [smem:$0x3F95];
	_ =	swait.ge [sflag:s4], $0x0  }
0x19: {  	s7 =	sld [smem:$0x3F96]  }
0x1a: {  	s8 =	sadd.s32 $0xFFFFE003, lr  }
0x1b: {  	s9 =	sadd.s32 $0xFFFFFEF7, lr;
	s5 =	simm.s32 $0xFFFFFFFF;
	p2 =	slt.u32 s8, $0xFFFFF086  }
0x1c: {  	p1 =	slt.u32 s9, $0xF7A;
	s5 =	simm.s32 @!p2 $0x0  }
0x1d: {  	s5 =	simm.s32 @p1 $0x1;
	p0 =	seq.s32 s7, s2  }
0x1e: {  	s7 =	smul.u32 @!p0 $0xF7A, s2;
	p2 =	seq.s32 @!p0 s5, $0x0  }
0x1f: {  	s9 =	smul.u32 $0xF7A, s1;
	s8 =	simm.s32 @!p0 $0x1BF5;
	p2 =	por !p2, p0  }
0x20: {  	[sflag:s8] =	ssyncset.s32 @!p0 $0xFFFFF086;
	s6 =	sadd.s32 @!p0 s3, s7;
	s7 =	simm.s32 @!p0 $0x108  }
0x21: {  	s3 =	sadd.s32 s3, s9;
	s6 =	sadd.s32 @!p0 $0x88, s6;
	s7 =	simm.s32 @p2 $0x1082  }
0x22: {  	[simem:s7], [sflag:s8] =	dma.local @!p0 [hbm:s6], $0xF7A  }
0x23: {  	s9 =	sor.u32 $0xD0000000, s2;
	s6 =	simm.s32 $0x108;
	_ =	swait.ge @!p0 [sflag:s8], $0x0  }
0x24: {  	s3 =	sadd.s32 $0x88, s3;
	s6 =	simm.s32 @!p1 $0x1082;
	[sflag:s4] =	ssyncset.s32 $0xFFFFF086  }
0x25: {  	[simem:s6], [sflag:s4] =	dma.local [hbm:s3], $0xF7A  }
0x26: {  	[smem:$0x3F96] =	sst s1;
	(tag) =	ssettag s2;
	_ =	strace s9  }
0x27: {  	s1 =	sld [smem:$0x3FA6]  }
0x28: {  	s2 =	sld [smem:$0x3FA7]  }
0x29: {  	s4 =	sld [smem:$0x3FA9]  }
0x2a: {  	p0 =	seq.s32 s5, $0x0;
	s5 =	sld [smem:$0x3FAA]  }
0x2b: {  	s6 =	sld [smem:$0x3FAB]  }
0x2c: {  	s7 =	sld [smem:$0x3FAC]  }
0x2d: {  	s3 =	simm.s32 $0x108;
	s8 =	sld [smem:$0x3FAD]  }
0x2e: {  	s3 =	simm.s32 @!p0 $0x1082;
	s9 =	sld [smem:$0x3FAE]  }
0x2f: {  	lr =	sadd.s32 s0, s3;
	s0 =	sld [smem:$0x3FA5]  }
0x30: {  	s3 =	sld [smem:$0x3FA8]  }
0x31: {  	[smem:$0x3FB1] =	sst s10  }
0x32: {  	s10 =	sld [smem:$0x3FAF];
	_ =	sdelay $0x3  }
0x33: {  	p0 =	seq.s32 s10, $0x1;
	s10 =	sld [smem:$0x3FB1];
	_ =	sdelay $0x3  }
0x34: {  	[smem:$0x3FB1] =	sst s10  }
0x35: {  	s10 =	sld [smem:$0x3FB0];
	_ =	sdelay $0x3  }
0x36: {  	p1 =	seq.s32 s10, $0x1;
	s10 =	sld [smem:$0x3FB1];
	_ =	sdelay $0x3  }
0x37: {  	[smem:$0x3FB1] =	sst s10  }
0x38: {  	s10 =	sld [smem:$0x3FB2]  }
0x39: {  	_ = 	snop;
	(pc) =	sbr.ind lr, $3  }
0x3a: {  	_ = 	snop  }
0x3b: {  	_ = 	snop  }
0x3c: {  	p2 =	seq.s32 s10, $0x1;
	s10 =	sld [smem:$0x3FB1]  }
0x3d: {  	_ =	shalt  }
0x3e: {  	_ =	shalt  }
0x3f: {  	_ =	shalt  }
0x40: {  	_ =	shalt  }
0x41: {  	_ =	shalt  }
0x42: {  	_ =	shalt  }
0x43: {  	_ =	shalt  }
0x44: {  	_ =	shalt  }
0x45: {  	_ =	shalt  }
0x46: {  	_ =	shalt  }
0x47: {  	_ =	shalt  }
0x48: {  	_ =	shalt  }
0x49: {  	_ =	shalt  }
0x4a: {  	_ =	shalt  }
0x4b: {  	_ =	shalt  }
0x4c: {  	_ =	shalt  }
0x4d: {  	_ =	shalt  }
0x4e: {  	_ =	shalt  }
0x4f: {  	_ =	shalt  }
0x50: {  	_ =	shalt  }
0x51: {  	_ =	shalt  }
0x52: {  	_ =	shalt  }
0x53: {  	_ =	shalt  }
0x54: {  	_ =	shalt  }
0x55: {  	_ =	shalt  }
0x56: {  	_ =	shalt  }
0x57: {  	_ =	shalt  }
0x58: {  	_ =	shalt  }
0x59: {  	_ =	shalt  }
0x5a: {  	_ =	shalt  }
0x5b: {  	_ =	shalt  }
0x5c: {  	_ =	shalt  }
0x5d: {  	_ =	shalt  }
0x5e: {  	_ =	shalt  }
0x5f: {  	_ =	shalt  }
0x60: {  	_ =	shalt  }
0x61: {  	_ =	shalt  }
0x62: {  	_ =	shalt  }
0x63: {  	_ =	shalt  }
0x64: {  	_ =	shalt  }
0x65: {  	_ =	shalt  }
0x66: {  	_ =	shalt  }
0x67: {  	_ =	shalt  }
0x68: {  	_ =	shalt  }
0x69: {  	_ =	shalt  }
0x6a: {  	_ =	shalt  }
0x6b: {  	_ =	shalt  }
0x6c: {  	_ =	shalt  }
0x6d: {  	_ =	shalt  }
0x6e: {  	_ =	shalt  }
0x6f: {  	_ =	shalt  }
0x70: {  	_ =	shalt  }
0x71: {  	_ =	shalt  }
0x72: {  	_ =	shalt  }
0x73: {  	_ =	shalt  }
0x74: {  	_ =	shalt  }
0x75: {  	_ =	shalt  }
0x76: {  	_ =	shalt  }
0x77: {  	_ =	shalt  }
0x78: {  	_ =	shalt  }
0x79: {  	_ =	shalt  }
0x7a: {  	_ =	shalt  }
0x7b: {  	_ =	shalt  }
0x7c: {  	_ =	shalt  }
0x7d: {  	_ =	shalt  }
0x7e: {  	_ =	shalt  }
0x7f: {  	_ =	shalt  }
0x80: {  	_ =	shalt  }
0x81: {  	_ =	shalt  }
0x82: {  	_ =	shalt  }
0x83: {  	_ =	shalt  }
0x84: {  	_ =	shalt  }
0x85: {  	_ =	shalt  }
0x86: {  	_ =	shalt  }
0x87: {  	_ =	shalt  }
.Lfunc_end0:
.L_simem_size_0:
called_computation_lowered:
.L_overlay_start_0:
0x88: {  	s2 =	sld [smem:$0x3FD9]  }
0x89: {  	s3 =	sld [smem:$0x3FFE];
	_ =	sdelay $0x1  }
0x8a: {  	s1 =	srdreg.scid  }
0x8b: {  	s0 =	sand.u32 $0x1, s1  }
0x8c: {  	s16 =	sshll.u32 s0, $0xA;
	s2 =	sadd.s32 s3, s2  }
0x8d: {  	s2 =	sadd.s32 s2, s16  }
0x8e: {  	[smem:$0x3FBD] =	sst s2  }
0x8f: {  	_ = 	snop  }
0x90: {  	(tm) =	ssettm $0x1  }
0x91: {  	s17 =	sld [smem:$0x3FFB];
	_ =	sdelay $0x3  }
0x92: {  	_ =	strace s17  }
0x93: {  	s2 =	sld [smem:$0x3FFC];
	_ =	sdelay $0x3  }
0x94: {  	_ =	strace s2  }
0x95: {  	s2 =	sld [smem:$0x3FFD];
	_ =	sdelay $0x3  }
0x96: {  	_ =	strace s2  }
0x97: {  	_ =	strace $0x8FFFFFFF  }
0x98: {  	s18 =	sld [smem:$0x3FDB];
	_ =	sdelay $0x1  }
0x99: {  	s19 =	simm.s32 $_scs_section_size  }
0x9a: {  	s4 =	simm.s32 $_size__tile_overlayer_lowered;
	s5 =	simm.s32 $_tile_overlayer_lowered  }
0x9b: {  	s22 =	simm.s32 $0x1BFF;
	s21 =	sshll.u32 s5, $0x1;
	s2 =	sadd.s32 s19, s18  }
0x9c: {  	s6 =	simm.s32 $0x0;
	s20 =	sshll.u32 s4, $0x1;
	s4 =	sadd.s32 s21, s2  }
0x9d: {  	[timem:s6], [sflag:s22] =	dma.local [hbm:s4], s20  }
0x9e: {  	_ =	swait.ge [sflag:s22], s20  }
0x9f: {  	s3 =	ssub.s32 $0x0, s20;
	[sflag:s22] =	ssyncset.done $0x0  }
0xa0: {  	[sflag:s22] =	ssyncadd.s32 s3;
	_ =	sdelay $0x1  }
0xa1: {  	s23 =	simm.s32 $0x1B8B  }
0xa2: {  	_ =	swait.ge [sflag:s23], $0x1  }
0xa3: {  	[sflag:s23] =	ssyncset.done $0x0  }
0xa4: {  	s25 =	simm.s32 $0x1B8E;
	s24 =	sld [smem:$0x3FFE];
	[sflag:s23] =	ssyncadd.s32 $0xFFFFFFFF  }
0xa5: {  	s26 =	simm.s32 $execute0_lowered;
	[smem:$0x3FD2] =	sst s25  }
0xa6: {  	s4 =	sshll.u32 s26, $0x1;
	_ =	strace $0x80000046;
	[dreg:$0x1] =	wrdreg $0xFFFFFFFF  }
0xa7: {  	s28 =	simm.s32 $_size_execute0_lowered;
	s2 =	sadd.s32 s2, s4;
	[dreg:$0x0] =	wrdreg $0x0  }
0xa8: {  	s4 =	sshll.u32 s28, $0x1;
	[dreg:$0x2] =	wrdreg s2  }
0xa9: {  	[dreg:$0x3] =	wrdreg s4  }
0xaa: {  	[dreg:$0x4] =	wrdreg $0xC0  }
0xab: {  	_ =	task [dreg:s6], $0x5FFFF  }
0xac: {  	[dreg:$0x1] =	wrdreg $0xFFFFFFFF  }
0xad: {  	[dreg:$0x0] =	wrdreg $0x60  }
0xae: {  	[dreg:$0x2] =	wrdreg s24  }
0xaf: {  	[dreg:$0x3] =	wrdreg $0x29000  }
0xb0: {  	[dreg:$0x4] =	wrdreg $0x9  }
0xb1: {  	_ =	task.clear_ibuf [dreg:s6], $0x5FFFF;
	_ =	strace $0x90000046  }
0xb2: {  	s29 =	simm.s32 $0x9;
	_ =	strace $0x80000048  }
0xb3: {  	_ =	swait.ge [sflag:s29], $0x1  }
0xb4: {  	[sflag:s29] =	ssyncadd.s32 $0xFFFFFFFF  }
0xb5: {  	_ =	strace $0x90000048  }
0xb6: {  	_ =	sfence  }
0xb7: {  	s30 =	sld [smem:$0x0];
	_ =	sdelay $0x2  }
0xb8: {  	s31 =	sshll.u32 s1, $0xD;
	s1 =	sshrl.u32 s1, $0x2  }
0xb9: {  	s3 =	sand.u32 $0x4000, s31;
	s1 =	sadd.s32 s1, s30  }
0xba: {  	s0 =	sor.u32 s3, s0;
	s1 =	sshll.u32 s1, $0x11  }
0xbb: {  	s0 =	sor.u32 s1, s0  }
0xbc: {  	s0 =	sadd.s32 $0x8F2B, s0  }
0xbd: {  	[sflag:s0] =	ssyncadd.remote.s32 $0x1  }
0xbe: {  	_ =	sfence.sel $0xFFFF  }
0xbf: {  	[dreg:$0x0] =	wrdreg $0xFFFFFFFF;
	(pc) =	sbr.abs _section_cstart, $3  }
0xc0: {  	[dreg:$0x1] =	wrdreg $0xFFFFFFFF  }
0xc1: {  	_ =	task.clear_ibuf [dreg:s6], $0x2FFFF;
	_ =	strace $0x9FFFFFFF  }
0xc2: {  	(tm) =	ssettm $0x7FFFFFFF  }
0xc3: {  	_ =	shalt  }
tec
execute0_lowered:
.L_overlay_start_1:
0x0: {  	(tag) =	ssettag $0x1  }
0x1: {  	s5 =	rddreg [dreg:$0x0]  }
0x2: {  	s0 =	srdreg.scid;
	s2 =	rddreg [dreg:$0x1]  }
0x3: {  	s1 =	rddreg [dreg:$0x2];
	s3 =	simm.s32 $0x0;
	s6 =	sand.u32 $0x1, s0  }
0x4: {  	s13 =	simm.s32 $0x80;
	s0 =	stileid.u32;
	s4 =	smul.u32 $0x27100, s6  }
0x5: {  	s14 =	simm.s32 $0x50;
	s15 =	simm.s32 $0x100;
	s7 =	smul.u32 $0x2710, s0  }
0x6: {  	s16 =	simm.s32 $0x1;
	s17 =	simm.s32 $0x0;
	s28 =	smul.u32 $0x278, s0  }
0x7: {  	[smem:$0x7FF] =	sst s3;
	s9 =	smul.u32 $0x2710, s6;
	s6 =	ssub.s32 $0x2, s6  }
0x8: {  	_ =	strace $0x80000047;
	s31 =	sshll.u32 s0, $0x6;
	s11 =	sshrl.u32 s6, $0x1  }
0x9: {  	s4 =	sadd.s32 s7, s4;
	s7 =	smin.u32 s28, $0x2498;
	s11 =	ssub.s32 s6, s11  }
0xa: {  	s6 =	sor.u32 $0x1C02, s31;
	s8 =	sshrl.u32 s4, $0x3;
	s4 =	sadd.s32 $0x3E000, s5  }
0xb: {  	s29 =	sshll.u32 s7, $0x4;
	s9 =	sadd.s32 s9, s7;
	s30 =	sshll.u32 s7, $0x7  }
0xc: {  	s10 =	sadd.s32 s8, s5;
	s8 =	sadd.s32 s29, s5;
	s9 =	sshll.u32 s9, $0x4  }
0xd: {  	s12 =	sadd.s32 s30, s2;
	s9 =	sadd.s32 s9, s5;
	s5 =	sadd.s32 $0x16E00, s8  }
0xe: {  	s8 =	smax.u32 s11, $0x1;
	s11 =	sshrl.u32 s12, $0x3;
	s12 =	simm.s32 $0x2  }
0xf: {  	s7 =	sadd.s32 $0x65200, s9;
	s9 =	sadd.s32 $0x3200, s10;
	s10 =	sadd.s32 $0xD000, s10  }
.LBB2_1:
0x10: {  	[spmem:s11], [sflag:s6] =	dma.local [hbm:s5], $0x2780  }
0x11: {  	_ =	swait.ge [sflag:s12], $0x2780  }
0x12: {  	[sflag:s12] =	ssyncset.done $0x0  }
0x13: {  	[sflag:s12] =	ssyncadd.s32 $0xFFFFD880  }
0x14: {  	s18 =	sadd.s32 $0x0, s10;
	[bflag:$0x0] =	sbarrier.arrive $0xFFFF  }
0x15: {  	[tilespmem:s3], [sflag:$0x2] =	stream.linear.gather [hbm4b:s18+s3], $0x50, $0x38;
	[tilespmem:$0x16180] =	vst v63  }
0x16: {  	_ =	swait.ge [sflag:s12], $0x50  }
0x17: {  	[sflag:s12] =	ssyncset.done $0x0  }
0x18: {  	s31 =	sadd.s32 $0x0, s9;
	[sflag:s12] =	ssyncadd.s32 $0xFFFFFFB0  }
0x19: {  	[tilespmem:s13], [sflag:$0x2] =	stream.linear.gather [hbm4b:s31+s3], $0x50, $0x38;
	[tilespmem:$0x16180] =	vst v63  }
0x1a: {  	_ =	swait.ge [sflag:s12], $0x50  }
0x1b: {  	[sflag:s12] =	ssyncset.done $0x0  }
0x1c: {  	[sflag:s12] =	ssyncadd.s32 $0xFFFFFFB0  }
0x1d: {  	[tilespmem:s15], [sflag:$0x1] =	stream.indirect.gather [hbm4b:s4+s14], $0x80, s3, s14, $0xb8;
	[tilespmem:$0x16180] =	vst v63  }
0x1e: {  	_ =	swait.ge [sflag:s16], $0x2800  }
0x1f: {  	[sflag:s16] =	ssyncset.done $0x0  }
0x20: {  	[sflag:s16] =	ssyncadd.s32 $0xFFFFD800  }
0x21: {  	[spmem:s2] =	stream.indirect.scatter.add.f32 [tilespmem:s15], [sflag:$0x2], $0x80, s13, s14, $0xb8;
	[tilespmem:$0x16180] =	vst v63  }
0x22: {  	_ =	swait.ge [sflag:s12], $0x2800  }
0x23: {  	s19 =	simm.s32 $0x14;
	s18 =	simm.s32 $0xA;
	[sflag:s12] =	ssyncset.done $0x0  }
.LBB2_2:
0x24: {  	s20 =	sadd.s32 s18, s10  }
0x25: {  	[sflag:s12] =	ssyncadd.s32 $0xFFFFD800;
	s21 =	smov.u32 s19;
	s22 =	sadd.s32 $0xA, s19  }
0x26: {  	[tilespmem:s3], [sflag:$0x2] =	stream.linear.gather [hbm4b:s20+s3], $0x50, $0x38;
	[tilespmem:$0x16180] =	vst v63  }
0x27: {  	p0 =	sne.s32 s19, $0x4D8;
	_ =	swait.ge [sflag:s12], $0x50  }
0x28: {  	[sflag:s12] =	ssyncset.done $0x0  }
0x29: {  	s19 =	sadd.s32 s18, s9;
	s18 =	smov.u32 s21;
	[sflag:s12] =	ssyncadd.s32 $0xFFFFFFB0  }
0x2a: {  	[tilespmem:s13], [sflag:$0x2] =	stream.linear.gather [hbm4b:s19+s3], $0x50, $0x38;
	[tilespmem:$0x16180] =	vst v63  }
0x2b: {  	_ =	swait.ge [sflag:s12], $0x50  }
0x2c: {  	[sflag:s12] =	ssyncset.done $0x0  }
0x2d: {  	[sflag:s12] =	ssyncadd.s32 $0xFFFFFFB0  }
0x2e: {  	[tilespmem:s15], [sflag:$0x1] =	stream.indirect.gather [hbm4b:s4+s14], $0x80, s3, s14, $0xb8;
	[tilespmem:$0x16180] =	vst v63  }
0x2f: {  	_ =	swait.ge [sflag:s16], $0x2800  }
.Ltmp0:
0x30: {  	[sflag:s16] =	ssyncset.done $0x0;
	(pc) =	sbr.rel @p0 .LBB2_2-.Ltmp0, $4  }
0x31: {  	[sflag:s16] =	ssyncadd.s32 $0xFFFFD800  }
0x32: {  	[spmem:s2] =	stream.indirect.scatter.add.f32 [tilespmem:s15], [sflag:$0x2], $0x80, s13, s14, $0xb8;
	[tilespmem:$0x16180] =	vst v63  }
0x33: {  	_ =	swait.ge [sflag:s12], $0x2800  }
0x34: {  	s19 =	smov.u32 s22;
	[sflag:s12] =	ssyncset.done $0x0  }
0x35: {  	s19 =	sadd.s32 s18, s10;
	[sflag:s12] =	ssyncadd.s32 $0xFFFFD800  }
0x36: {  	[tilespmem:s3], [sflag:$0x2] =	stream.linear.gather [hbm4b:s19+s3], $0x50, $0x38;
	[tilespmem:$0x16180] =	vst v63  }
0x37: {  	_ =	swait.ge [sflag:s12], $0x50  }
0x38: {  	[sflag:s12] =	ssyncset.done $0x0  }
0x39: {  	s31 =	sadd.s32 s18, s9;
	[sflag:s12] =	ssyncadd.s32 $0xFFFFFFB0  }
0x3a: {  	[tilespmem:s13], [sflag:$0x2] =	stream.linear.gather [hbm4b:s31+s3], $0x50, $0x38;
	[tilespmem:$0x16180] =	vst v63  }
0x3b: {  	_ =	swait.ge [sflag:s12], $0x50  }
0x3c: {  	[sflag:s12] =	ssyncset.done $0x0  }
0x3d: {  	[sflag:s12] =	ssyncadd.s32 $0xFFFFFFB0  }
0x3e: {  	[tilespmem:s15], [sflag:$0x1] =	stream.indirect.gather [hbm4b:s4+s14], $0x80, s3, s14, $0xb8;
	[tilespmem:$0x16180] =	vst v63  }
0x3f: {  	_ =	swait.ge [sflag:s16], $0x2800  }
0x40: {  	[sflag:s16] =	ssyncset.done $0x0  }
0x41: {  	[sflag:s16] =	ssyncadd.s32 $0xFFFFD800  }
0x42: {  	[spmem:s2] =	stream.indirect.scatter.add.f32 [tilespmem:s15], [sflag:$0x2], $0x80, s13, s14, $0xb8;
	[tilespmem:$0x16180] =	vst v63  }
0x43: {  	_ =	swait.ge [sflag:s12], $0x2800  }
0x44: {  	s17 =	sadd.s32 $0x1, s17;
	[sflag:s12] =	ssyncset.done $0x0  }
0x45: {  	p0 =	sne.s32 s17, s8;
	[sflag:s12] =	ssyncadd.s32 $0xFFFFD800  }
.Ltmp1:
0x46: {  	[bflag:$0x0] =	sbarrier.arrive $0xFFFF;
	(pc) =	sbr.rel @p0 .LBB2_1-.Ltmp1, $4  }
0x47: {  	[hbm:s7], [sflag:s6] =	dma.local [spmem:s11], $0x2780  }
0x48: {  	_ =	swait.ge [sflag:s12], $0x2780  }
0x49: {  	[sflag:s12] =	ssyncset.done $0x0  }
0x4a: {  	[sflag:s12] =	ssyncadd.s32 $0xFFFFD880  }
0x4b: {  	_ =	sfence.sel $0x180000  }
0x4c: {  	[bflag:$0x0] =	sbarrier.arrive $0xFFFF  }
0x4d: {  	p0 =	sne.s32 s0, $0x0;
	_ =	strace $0x90000047  }
0x4e: {  	s0 =	sadd.s32 @!p0 $0x100000, s1;
	[bflag:$0x2] =	sbarrier.arrive $0xFFFF  }
0x4f: {  	[sflag:s0] =	ssyncadd.tile.s32 @!p0 $0x1;
	_ =	shalt  }
.Lfunc_end2:
_tile_overlayer_lowered:
.L_overlay_start_2:
0x50: {  	(tag) =	ssettag $0x2  }
0x51: {  	s0 =	rddreg [dreg:$0x0];
	s2 =	stileid.u32  }
0x52: {  	s1 =	rddreg [dreg:$0x1];
	p0 =	sne.s32 s2, $0x0  }
0x53: {  	s3 =	rddreg [dreg:$0x2];
	[bflag:$0x3] =	sbarrier.arrive $0xFFFF;
	s2 =	simm.s32 @!p0 $0x1C02  }
0x54: {  	[timem:s3], [sflag:s2] =	dma.local @!p0 [hbm:s0], s1  }
0x55: {  	s0 =	simm.s32 @!p0 $0x2  }
0x56: {  	_ =	swait.ge @!p0 [sflag:s0], s1  }
0x57: {  	s1 =	ssub.s32 @!p0 $0x0, s1;
	[sflag:s0] =	ssyncset.done @!p0 $0x0  }
0x58: {  	[sflag:s0] =	ssyncadd.s32 @!p0 s1  }
0x59: {  	[bflag:$0x3] =	sbarrier.arrive $0xFFFF  }
0x5a: {  	_ =	shalt  }

// kernel: kernel.13.cloned.1.call-start
scs
__scs_entry_jumppad:
0x0: {  	(pc) =	sbr.rel $0x88, $3  }
0x1: {  	(tag) =	ssettag $0x0;
	lr =	simm.s32 $0x1  }
0x2: {  	[smem:$0x3F96] =	sst lr;
	_ =	strace $0xD0000000  }
0x3: {  	_ = 	snop  }
0x4: {  	_ = 	snop  }
0x5: {  	_ = 	snop  }
0x6: {  	_ = 	snop  }
0x7: {  	_ = 	snop  }
__scs_overlays_trampoline_lowered:
0x8: {  	[smem:$0x3FA5] =	sst s0  }
0x9: {  	[smem:$0x3FA6] =	sst s1  }
0xa: {  	[smem:$0x3FA7] =	sst s2  }
0xb: {  	[smem:$0x3FA8] =	sst s3  }
0xc: {  	[smem:$0x3FA9] =	sst s4  }
0xd: {  	[smem:$0x3FAA] =	sst s5  }
0xe: {  	[smem:$0x3FAB] =	sst s6  }
0xf: {  	[smem:$0x3FAC] =	sst s7  }
0x10: {  	[smem:$0x3FAD] =	sst s8  }
0x11: {  	[smem:$0x3FAE] =	sst s9;
	s0 =	simm.s32 @!p0 $0x0  }
0x12: {  	s1 =	sld [smem:$0x3F94];
	s0 =	simm.s32 @p0 $0x1  }
0x13: {  	[smem:$0x3FAF] =	sst s0;
	s0 =	simm.s32 @!p1 $0x0  }
0x14: {  	s2 =	sld [smem:$0x3F93];
	s0 =	simm.s32 @p1 $0x1  }
0x15: {  	[smem:$0x3FB0] =	sst s0;
	s0 =	simm.s32 @!p2 $0x0  }
0x16: {  	s3 =	sld [smem:$0x3FDB];
	s0 =	simm.s32 @p2 $0x1  }
0x17: {  	s4 =	simm.s32 $0x1BF5;
	[smem:$0x3FB2] =	sst s0  }
0x18: {  	s0 =	sld [smem:$0x3F95];
	_ =	swait.ge [sflag:s4], $0x0  }
0x19: {  	s7 =	sld [smem:$0x3F96]  }
0x1a: {  	s8 =	sadd.s32 $0xFFFFE003, lr  }
0x1b: {  	s9 =	sadd.s32 $0xFFFFFEF7, lr;
	s5 =	simm.s32 $0xFFFFFFFF;
	p2 =	slt.u32 s8, $0xFFFFF086  }
0x1c: {  	p1 =	slt.u32 s9, $0xF7A;
	s5 =	simm.s32 @!p2 $0x0  }
0x1d: {  	s5 =	simm.s32 @p1 $0x1;
	p0 =	seq.s32 s7, s2  }
0x1e: {  	s7 =	smul.u32 @!p0 $0xF7A, s2;
	p2 =	seq.s32 @!p0 s5, $0x0  }
0x1f: {  	s9 =	smul.u32 $0xF7A, s1;
	s8 =	simm.s32 @!p0 $0x1BF5;
	p2 =	por !p2, p0  }
0x20: {  	[sflag:s8] =	ssyncset.s32 @!p0 $0xFFFFF086;
	s6 =	sadd.s32 @!p0 s3, s7;
	s7 =	simm.s32 @!p0 $0x108  }
0x21: {  	s3 =	sadd.s32 s3, s9;
	s6 =	sadd.s32 @!p0 $0x88, s6;
	s7 =	simm.s32 @p2 $0x1082  }
0x22: {  	[simem:s7], [sflag:s8] =	dma.local @!p0 [hbm:s6], $0xF7A  }
0x23: {  	s9 =	sor.u32 $0xD0000000, s2;
	s6 =	simm.s32 $0x108;
	_ =	swait.ge @!p0 [sflag:s8], $0x0  }
0x24: {  	s3 =	sadd.s32 $0x88, s3;
	s6 =	simm.s32 @!p1 $0x1082;
	[sflag:s4] =	ssyncset.s32 $0xFFFFF086  }
0x25: {  	[simem:s6], [sflag:s4] =	dma.local [hbm:s3], $0xF7A  }
0x26: {  	[smem:$0x3F96] =	sst s1;
	(tag) =	ssettag s2;
	_ =	strace s9  }
0x27: {  	s1 =	sld [smem:$0x3FA6]  }
0x28: {  	s2 =	sld [smem:$0x3FA7]  }
0x29: {  	s4 =	sld [smem:$0x3FA9]  }
0x2a: {  	p0 =	seq.s32 s5, $0x0;
	s5 =	sld [smem:$0x3FAA]  }
0x2b: {  	s6 =	sld [smem:$0x3FAB]  }
0x2c: {  	s7 =	sld [smem:$0x3FAC]  }
0x2d: {  	s3 =	simm.s32 $0x108;
	s8 =	sld [smem:$0x3FAD]  }
0x2e: {  	s3 =	simm.s32 @!p0 $0x1082;
	s9 =	sld [smem:$0x3FAE]  }
0x2f: {  	lr =	sadd.s32 s0, s3;
	s0 =	sld [smem:$0x3FA5]  }
0x30: {  	s3 =	sld [smem:$0x3FA8]  }
0x31: {  	[smem:$0x3FB1] =	sst s10  }
0x32: {  	s10 =	sld [smem:$0x3FAF];
	_ =	sdelay $0x3  }
0x33: {  	p0 =	seq.s32 s10, $0x1;
	s10 =	sld [smem:$0x3FB1];
	_ =	sdelay $0x3  }
0x34: {  	[smem:$0x3FB1] =	sst s10  }
0x35: {  	s10 =	sld [smem:$0x3FB0];
	_ =	sdelay $0x3  }
0x36: {  	p1 =	seq.s32 s10, $0x1;
	s10 =	sld [smem:$0x3FB1];
	_ =	sdelay $0x3  }
0x37: {  	[smem:$0x3FB1] =	sst s10  }
0x38: {  	s10 =	sld [smem:$0x3FB2]  }
0x39: {  	_ = 	snop;
	(pc) =	sbr.ind lr, $3  }
0x3a: {  	_ = 	snop  }
0x3b: {  	_ = 	snop  }
0x3c: {  	p2 =	seq.s32 s10, $0x1;
	s10 =	sld [smem:$0x3FB1]  }
0x3d: {  	_ =	shalt  }
0x3e: {  	_ =	shalt  }
0x3f: {  	_ =	shalt  }
0x40: {  	_ =	shalt  }
0x41: {  	_ =	shalt  }
0x42: {  	_ =	shalt  }
0x43: {  	_ =	shalt  }
0x44: {  	_ =	shalt  }
0x45: {  	_ =	shalt  }
0x46: {  	_ =	shalt  }
0x47: {  	_ =	shalt  }
0x48: {  	_ =	shalt  }
0x49: {  	_ =	shalt  }
0x4a: {  	_ =	shalt  }
0x4b: {  	_ =	shalt  }
0x4c: {  	_ =	shalt  }
0x4d: {  	_ =	shalt  }
0x4e: {  	_ =	shalt  }
0x4f: {  	_ =	shalt  }
0x50: {  	_ =	shalt  }
0x51: {  	_ =	shalt  }
0x52: {  	_ =	shalt  }
0x53: {  	_ =	shalt  }
0x54: {  	_ =	shalt  }
0x55: {  	_ =	shalt  }
0x56: {  	_ =	shalt  }
0x57: {  	_ =	shalt  }
0x58: {  	_ =	shalt  }
0x59: {  	_ =	shalt  }
0x5a: {  	_ =	shalt  }
0x5b: {  	_ =	shalt  }
0x5c: {  	_ =	shalt  }
0x5d: {  	_ =	shalt  }
0x5e: {  	_ =	shalt  }
0x5f: {  	_ =	shalt  }
0x60: {  	_ =	shalt  }
0x61: {  	_ =	shalt  }
0x62: {  	_ =	shalt  }
0x63: {  	_ =	shalt  }
0x64: {  	_ =	shalt  }
0x65: {  	_ =	shalt  }
0x66: {  	_ =	shalt  }
0x67: {  	_ =	shalt  }
0x68: {  	_ =	shalt  }
0x69: {  	_ =	shalt  }
0x6a: {  	_ =	shalt  }
0x6b: {  	_ =	shalt  }
0x6c: {  	_ =	shalt  }
0x6d: {  	_ =	shalt  }
0x6e: {  	_ =	shalt  }
0x6f: {  	_ =	shalt  }
0x70: {  	_ =	shalt  }
0x71: {  	_ =	shalt  }
0x72: {  	_ =	shalt  }
0x73: {  	_ =	shalt  }
0x74: {  	_ =	shalt  }
0x75: {  	_ =	shalt  }
0x76: {  	_ =	shalt  }
0x77: {  	_ =	shalt  }
0x78: {  	_ =	shalt  }
0x79: {  	_ =	shalt  }
0x7a: {  	_ =	shalt  }
0x7b: {  	_ =	shalt  }
0x7c: {  	_ =	shalt  }
0x7d: {  	_ =	shalt  }
0x7e: {  	_ =	shalt  }
0x7f: {  	_ =	shalt  }
0x80: {  	_ =	shalt  }
0x81: {  	_ =	shalt  }
0x82: {  	_ =	shalt  }
0x83: {  	_ =	shalt  }
0x84: {  	_ =	shalt  }
0x85: {  	_ =	shalt  }
0x86: {  	_ =	shalt  }
0x87: {  	_ =	shalt  }
.Lfunc_end0:
.L_simem_size_0:
called_computation.1_lowered:
.L_overlay_start_0:
0x88: {  	s2 =	sld [smem:$0x3FD9]  }
0x89: {  	s3 =	sld [smem:$0x3FFE];
	_ =	sdelay $0x1  }
0x8a: {  	s1 =	srdreg.scid  }
0x8b: {  	s0 =	sand.u32 $0x1, s1  }
0x8c: {  	s16 =	sshll.u32 s0, $0xA;
	s2 =	sadd.s32 s3, s2  }
0x8d: {  	s2 =	sadd.s32 s2, s16  }
0x8e: {  	[smem:$0x3FBD] =	sst s2  }
0x8f: {  	_ = 	snop  }
0x90: {  	(tm) =	ssettm $0x1  }
0x91: {  	s17 =	sld [smem:$0x3FFB];
	_ =	sdelay $0x3  }
0x92: {  	_ =	strace s17  }
0x93: {  	s2 =	sld [smem:$0x3FFC];
	_ =	sdelay $0x3  }
0x94: {  	_ =	strace s2  }
0x95: {  	s2 =	sld [smem:$0x3FFD];
	_ =	sdelay $0x3  }
0x96: {  	_ =	strace s2  }
0x97: {  	_ =	strace $0x8FFFFFFF  }
0x98: {  	s18 =	sld [smem:$0x3FDB];
	_ =	sdelay $0x1  }
0x99: {  	s19 =	simm.s32 $_scs_section_size  }
0x9a: {  	s4 =	simm.s32 $_size__tile_overlayer_lowered;
	s5 =	simm.s32 $_tile_overlayer_lowered  }
0x9b: {  	s22 =	simm.s32 $0x1BFF;
	s21 =	sshll.u32 s5, $0x1;
	s2 =	sadd.s32 s19, s18  }
0x9c: {  	s6 =	simm.s32 $0x0;
	s20 =	sshll.u32 s4, $0x1;
	s4 =	sadd.s32 s21, s2  }
0x9d: {  	[timem:s6], [sflag:s22] =	dma.local [hbm:s4], s20  }
0x9e: {  	_ =	swait.ge [sflag:s22], s20  }
0x9f: {  	s3 =	ssub.s32 $0x0, s20;
	[sflag:s22] =	ssyncset.done $0x0  }
0xa0: {  	[sflag:s22] =	ssyncadd.s32 s3;
	_ =	sdelay $0x1  }
0xa1: {  	s23 =	simm.s32 $0x1B8B  }
0xa2: {  	_ =	swait.ge [sflag:s23], $0x1  }
0xa3: {  	[sflag:s23] =	ssyncset.done $0x0  }
0xa4: {  	s25 =	simm.s32 $0x1B8E;
	s24 =	sld [smem:$0x3FFE];
	[sflag:s23] =	ssyncadd.s32 $0xFFFFFFFF  }
0xa5: {  	s26 =	simm.s32 $execute0_lowered;
	[smem:$0x3FD2] =	sst s25  }
0xa6: {  	s4 =	sshll.u32 s26, $0x1;
	_ =	strace $0x80000049;
	[dreg:$0x1] =	wrdreg $0xFFFFFFFF  }
0xa7: {  	s28 =	simm.s32 $_size_execute0_lowered;
	s2 =	sadd.s32 s2, s4;
	[dreg:$0x0] =	wrdreg $0x0  }
0xa8: {  	s4 =	sshll.u32 s28, $0x1;
	[dreg:$0x2] =	wrdreg s2  }
0xa9: {  	[dreg:$0x3] =	wrdreg s4  }
0xaa: {  	[dreg:$0x4] =	wrdreg $0xC0  }
0xab: {  	_ =	task [dreg:s6], $0x5FFFF  }
0xac: {  	[dreg:$0x1] =	wrdreg $0xFFFFFFFF  }
0xad: {  	[dreg:$0x0] =	wrdreg $0x60  }
0xae: {  	[dreg:$0x2] =	wrdreg s24  }
0xaf: {  	[dreg:$0x3] =	wrdreg $0x29000  }
0xb0: {  	[dreg:$0x4] =	wrdreg $0x9  }
0xb1: {  	_ =	task.clear_ibuf [dreg:s6], $0x5FFFF;
	_ =	strace $0x90000049  }
0xb2: {  	s29 =	simm.s32 $0x9;
	_ =	strace $0x8000004B  }
0xb3: {  	_ =	swait.ge [sflag:s29], $0x1  }
0xb4: {  	[sflag:s29] =	ssyncadd.s32 $0xFFFFFFFF  }
0xb5: {  	_ =	strace $0x9000004B  }
0xb6: {  	_ =	sfence  }
0xb7: {  	s30 =	sld [smem:$0x0];
	_ =	sdelay $0x2  }
0xb8: {  	s31 =	sshll.u32 s1, $0xD;
	s1 =	sshrl.u32 s1, $0x2  }
0xb9: {  	s3 =	sand.u32 $0x4000, s31;
	s1 =	sadd.s32 s1, s30  }
0xba: {  	s0 =	sor.u32 s3, s0;
	s1 =	sshll.u32 s1, $0x11  }
0xbb: {  	s0 =	sor.u32 s1, s0  }
0xbc: {  	s0 =	sadd.s32 $0x8F2B, s0  }
0xbd: {  	[sflag:s0] =	ssyncadd.remote.s32 $0x1  }
0xbe: {  	_ =	sfence.sel $0xFFFF  }
0xbf: {  	[dreg:$0x0] =	wrdreg $0xFFFFFFFF;
	(pc) =	sbr.abs _section_cstart, $3  }
0xc0: {  	[dreg:$0x1] =	wrdreg $0xFFFFFFFF  }
0xc1: {  	_ =	task.clear_ibuf [dreg:s6], $0x2FFFF;
	_ =	strace $0x9FFFFFFF  }
0xc2: {  	(tm) =	ssettm $0x7FFFFFFF  }
0xc3: {  	_ =	shalt  }
tec
execute0_lowered:
.L_overlay_start_1:
0x0: {  	(tag) =	ssettag $0x1  }
0x1: {  	s5 =	rddreg [dreg:$0x0]  }
0x2: {  	s0 =	srdreg.scid;
	s2 =	rddreg [dreg:$0x1]  }
0x3: {  	s1 =	rddreg [dreg:$0x2];
	s3 =	simm.s32 $0x0;
	s6 =	sand.u32 $0x1, s0  }
0x4: {  	s13 =	simm.s32 $0x80;
	s0 =	stileid.u32;
	s4 =	smul.u32 $0x27100, s6  }
0x5: {  	s14 =	simm.s32 $0x50;
	s15 =	simm.s32 $0x100;
	s7 =	smul.u32 $0x2710, s0  }
0x6: {  	s16 =	simm.s32 $0x1;
	s17 =	simm.s32 $0x0;
	s28 =	smul.u32 $0x278, s0  }
0x7: {  	[smem:$0x7FF] =	sst s3;
	s9 =	smul.u32 $0x2710, s6;
	s6 =	ssub.s32 $0x2, s6  }
0x8: {  	_ =	strace $0x8000004A;
	s31 =	sshll.u32 s0, $0x6;
	s11 =	sshrl.u32 s6, $0x1  }
0x9: {  	s4 =	sadd.s32 s7, s4;
	s7 =	smin.u32 s28, $0x2498;
	s11 =	ssub.s32 s6, s11  }
0xa: {  	s6 =	sor.u32 $0x1C02, s31;
	s8 =	sshrl.u32 s4, $0x3;
	s4 =	sadd.s32 $0x3E000, s5  }
0xb: {  	s29 =	sshll.u32 s7, $0x4;
	s9 =	sadd.s32 s9, s7;
	s30 =	sshll.u32 s7, $0x7  }
0xc: {  	s10 =	sadd.s32 s8, s5;
	s8 =	sadd.s32 s29, s5;
	s9 =	sshll.u32 s9, $0x4  }
0xd: {  	s12 =	sadd.s32 s30, s2;
	s9 =	sadd.s32 s9, s5;
	s5 =	sadd.s32 $0x16E00, s8  }
0xe: {  	s8 =	smax.u32 s11, $0x1;
	s11 =	sshrl.u32 s12, $0x3;
	s12 =	simm.s32 $0x2  }
0xf: {  	s7 =	sadd.s32 $0x65200, s9;
	s9 =	sadd.s32 $0x3200, s10;
	s10 =	sadd.s32 $0xD000, s10  }
.LBB2_1:
0x10: {  	[spmem:s11], [sflag:s6] =	dma.local [hbm:s5], $0x2780  }
0x11: {  	_ =	swait.ge [sflag:s12], $0x2780  }
0x12: {  	[sflag:s12] =	ssyncset.done $0x0  }
0x13: {  	[sflag:s12] =	ssyncadd.s32 $0xFFFFD880  }
0x14: {  	s18 =	sadd.s32 $0x0, s10;
	[bflag:$0x0] =	sbarrier.arrive $0xFFFF  }
0x15: {  	[tilespmem:s3], [sflag:$0x2] =	stream.linear.gather [hbm4b:s18+s3], $0x50, $0x38;
	[tilespmem:$0x16180] =	vst v63  }
0x16: {  	_ =	swait.ge [sflag:s12], $0x50  }
0x17: {  	[sflag:s12] =	ssyncset.done $0x0  }
0x18: {  	s31 =	sadd.s32 $0x0, s9;
	[sflag:s12] =	ssyncadd.s32 $0xFFFFFFB0  }
0x19: {  	[tilespmem:s13], [sflag:$0x2] =	stream.linear.gather [hbm4b:s31+s3], $0x50, $0x38;
	[tilespmem:$0x16180] =	vst v63  }
0x1a: {  	_ =	swait.ge [sflag:s12], $0x50  }
0x1b: {  	[sflag:s12] =	ssyncset.done $0x0  }
0x1c: {  	[sflag:s12] =	ssyncadd.s32 $0xFFFFFFB0  }
0x1d: {  	[tilespmem:s15], [sflag:$0x1] =	stream.indirect.gather [hbm4b:s4+s14], $0x80, s3, s14, $0xb8;
	[tilespmem:$0x16180] =	vst v63  }
0x1e: {  	_ =	swait.ge [sflag:s16], $0x2800  }
0x1f: {  	[sflag:s16] =	ssyncset.done $0x0  }
0x20: {  	[sflag:s16] =	ssyncadd.s32 $0xFFFFD800  }
0x21: {  	[spmem:s2] =	stream.indirect.scatter.add.f32 [tilespmem:s15], [sflag:$0x2], $0x80, s13, s14, $0xb8;
	[tilespmem:$0x16180] =	vst v63  }
0x22: {  	_ =	swait.ge [sflag:s12], $0x2800  }
0x23: {  	s19 =	simm.s32 $0x14;
	s18 =	simm.s32 $0xA;
	[sflag:s12] =	ssyncset.done $0x0  }
.LBB2_2:
0x24: {  	s20 =	sadd.s32 s18, s10  }
0x25: {  	[sflag:s12] =	ssyncadd.s32 $0xFFFFD800;
	s21 =	smov.u32 s19;
	s22 =	sadd.s32 $0xA, s19  }
0x26: {  	[tilespmem:s3], [sflag:$0x2] =	stream.linear.gather [hbm4b:s20+s3], $0x50, $0x38;
	[tilespmem:$0x16180] =	vst v63  }
0x27: {  	p0 =	sne.s32 s19, $0x4D8;
	_ =	swait.ge [sflag:s12], $0x50  }
0x28: {  	[sflag:s12] =	ssyncset.done $0x0  }
0x29: {  	s19 =	sadd.s32 s18, s9;
	s18 =	smov.u32 s21;
	[sflag:s12] =	ssyncadd.s32 $0xFFFFFFB0  }
0x2a: {  	[tilespmem:s13], [sflag:$0x2] =	stream.linear.gather [hbm4b:s19+s3], $0x50, $0x38;
	[tilespmem:$0x16180] =	vst v63  }
0x2b: {  	_ =	swait.ge [sflag:s12], $0x50  }
0x2c: {  	[sflag:s12] =	ssyncset.done $0x0  }
0x2d: {  	[sflag:s12] =	ssyncadd.s32 $0xFFFFFFB0  }
0x2e: {  	[tilespmem:s15], [sflag:$0x1] =	stream.indirect.gather [hbm4b:s4+s14], $0x80, s3, s14, $0xb8;
	[tilespmem:$0x16180] =	vst v63  }
0x2f: {  	_ =	swait.ge [sflag:s16], $0x2800  }
.Ltmp0:
0x30: {  	[sflag:s16] =	ssyncset.done $0x0;
	(pc) =	sbr.rel @p0 .LBB2_2-.Ltmp0, $4  }
0x31: {  	[sflag:s16] =	ssyncadd.s32 $0xFFFFD800  }
0x32: {  	[spmem:s2] =	stream.indirect.scatter.add.f32 [tilespmem:s15], [sflag:$0x2], $0x80, s13, s14, $0xb8;
	[tilespmem:$0x16180] =	vst v63  }
0x33: {  	_ =	swait.ge [sflag:s12], $0x2800  }
0x34: {  	s19 =	smov.u32 s22;
	[sflag:s12] =	ssyncset.done $0x0  }
0x35: {  	s19 =	sadd.s32 s18, s10;
	[sflag:s12] =	ssyncadd.s32 $0xFFFFD800  }
0x36: {  	[tilespmem:s3], [sflag:$0x2] =	stream.linear.gather [hbm4b:s19+s3], $0x50, $0x38;
	[tilespmem:$0x16180] =	vst v63  }
0x37: {  	_ =	swait.ge [sflag:s12], $0x50  }
0x38: {  	[sflag:s12] =	ssyncset.done $0x0  }
0x39: {  	s31 =	sadd.s32 s18, s9;
	[sflag:s12] =	ssyncadd.s32 $0xFFFFFFB0  }
0x3a: {  	[tilespmem:s13], [sflag:$0x2] =	stream.linear.gather [hbm4b:s31+s3], $0x50, $0x38;
	[tilespmem:$0x16180] =	vst v63  }
0x3b: {  	_ =	swait.ge [sflag:s12], $0x50  }
0x3c: {  	[sflag:s12] =	ssyncset.done $0x0  }
0x3d: {  	[sflag:s12] =	ssyncadd.s32 $0xFFFFFFB0  }
0x3e: {  	[tilespmem:s15], [sflag:$0x1] =	stream.indirect.gather [hbm4b:s4+s14], $0x80, s3, s14, $0xb8;
	[tilespmem:$0x16180] =	vst v63  }
0x3f: {  	_ =	swait.ge [sflag:s16], $0x2800  }
0x40: {  	[sflag:s16] =	ssyncset.done $0x0  }
0x41: {  	[sflag:s16] =	ssyncadd.s32 $0xFFFFD800  }
0x42: {  	[spmem:s2] =	stream.indirect.scatter.add.f32 [tilespmem:s15], [sflag:$0x2], $0x80, s13, s14, $0xb8;
	[tilespmem:$0x16180] =	vst v63  }
0x43: {  	_ =	swait.ge [sflag:s12], $0x2800  }
0x44: {  	s17 =	sadd.s32 $0x1, s17;
	[sflag:s12] =	ssyncset.done $0x0  }
0x45: {  	p0 =	sne.s32 s17, s8;
	[sflag:s12] =	ssyncadd.s32 $0xFFFFD800  }
.Ltmp1:
0x46: {  	[bflag:$0x0] =	sbarrier.arrive $0xFFFF;
	(pc) =	sbr.rel @p0 .LBB2_1-.Ltmp1, $4  }
0x47: {  	[hbm:s7], [sflag:s6] =	dma.local [spmem:s11], $0x2780  }
0x48: {  	_ =	swait.ge [sflag:s12], $0x2780  }
0x49: {  	[sflag:s12] =	ssyncset.done $0x0  }
0x4a: {  	[sflag:s12] =	ssyncadd.s32 $0xFFFFD880  }
0x4b: {  	_ =	sfence.sel $0x180000  }
0x4c: {  	[bflag:$0x0] =	sbarrier.arrive $0xFFFF  }
0x4d: {  	p0 =	sne.s32 s0, $0x0;
	_ =	strace $0x9000004A  }
0x4e: {  	s0 =	sadd.s32 @!p0 $0x100000, s1;
	[bflag:$0x2] =	sbarrier.arrive $0xFFFF  }
0x4f: {  	[sflag:s0] =	ssyncadd.tile.s32 @!p0 $0x1;
	_ =	shalt  }
.Lfunc_end2:
_tile_overlayer_lowered:
.L_overlay_start_2:
0x50: {  	(tag) =	ssettag $0x2  }
0x51: {  	s0 =	rddreg [dreg:$0x0];
	s2 =	stileid.u32  }
0x52: {  	s1 =	rddreg [dreg:$0x1];
	p0 =	sne.s32 s2, $0x0  }
0x53: {  	s3 =	rddreg [dreg:$0x2];
	[bflag:$0x3] =	sbarrier.arrive $0xFFFF;
	s2 =	simm.s32 @!p0 $0x1C02  }
0x54: {  	[timem:s3], [sflag:s2] =	dma.local @!p0 [hbm:s0], s1  }
0x55: {  	s0 =	simm.s32 @!p0 $0x2  }
0x56: {  	_ =	swait.ge @!p0 [sflag:s0], s1  }
0x57: {  	s1 =	ssub.s32 @!p0 $0x0, s1;
	[sflag:s0] =	ssyncset.done @!p0 $0x0  }
0x58: {  	[sflag:s0] =	ssyncadd.s32 @!p0 s1  }
0x59: {  	[bflag:$0x3] =	sbarrier.arrive $0xFFFF  }
0x5a: {  	_ =	shalt  }

// kernel: kernel.16.cloned.1.call-start
scs
__scs_entry_jumppad:
0x0: {  	(pc) =	sbr.rel $0x88, $3  }
0x1: {  	(tag) =	ssettag $0x0;
	lr =	simm.s32 $0x1  }
0x2: {  	[smem:$0x3F96] =	sst lr;
	_ =	strace $0xD0000000  }
0x3: {  	_ = 	snop  }
0x4: {  	_ = 	snop  }
0x5: {  	_ = 	snop  }
0x6: {  	_ = 	snop  }
0x7: {  	_ = 	snop  }
__scs_overlays_trampoline_lowered:
0x8: {  	[smem:$0x3FA5] =	sst s0  }
0x9: {  	[smem:$0x3FA6] =	sst s1  }
0xa: {  	[smem:$0x3FA7] =	sst s2  }
0xb: {  	[smem:$0x3FA8] =	sst s3  }
0xc: {  	[smem:$0x3FA9] =	sst s4  }
0xd: {  	[smem:$0x3FAA] =	sst s5  }
0xe: {  	[smem:$0x3FAB] =	sst s6  }
0xf: {  	[smem:$0x3FAC] =	sst s7  }
0x10: {  	[smem:$0x3FAD] =	sst s8  }
0x11: {  	[smem:$0x3FAE] =	sst s9;
	s0 =	simm.s32 @!p0 $0x0  }
0x12: {  	s1 =	sld [smem:$0x3F94];
	s0 =	simm.s32 @p0 $0x1  }
0x13: {  	[smem:$0x3FAF] =	sst s0;
	s0 =	simm.s32 @!p1 $0x0  }
0x14: {  	s2 =	sld [smem:$0x3F93];
	s0 =	simm.s32 @p1 $0x1  }
0x15: {  	[smem:$0x3FB0] =	sst s0;
	s0 =	simm.s32 @!p2 $0x0  }
0x16: {  	s3 =	sld [smem:$0x3FDB];
	s0 =	simm.s32 @p2 $0x1  }
0x17: {  	s4 =	simm.s32 $0x1BF5;
	[smem:$0x3FB2] =	sst s0  }
0x18: {  	s0 =	sld [smem:$0x3F95];
	_ =	swait.ge [sflag:s4], $0x0  }
0x19: {  	s7 =	sld [smem:$0x3F96]  }
0x1a: {  	s8 =	sadd.s32 $0xFFFFE003, lr  }
0x1b: {  	s9 =	sadd.s32 $0xFFFFFEF7, lr;
	s5 =	simm.s32 $0xFFFFFFFF;
	p2 =	slt.u32 s8, $0xFFFFF086  }
0x1c: {  	p1 =	slt.u32 s9, $0xF7A;
	s5 =	simm.s32 @!p2 $0x0  }
0x1d: {  	s5 =	simm.s32 @p1 $0x1;
	p0 =	seq.s32 s7, s2  }
0x1e: {  	s7 =	smul.u32 @!p0 $0xF7A, s2;
	p2 =	seq.s32 @!p0 s5, $0x0  }
0x1f: {  	s9 =	smul.u32 $0xF7A, s1;
	s8 =	simm.s32 @!p0 $0x1BF5;
	p2 =	por !p2, p0  }
0x20: {  	[sflag:s8] =	ssyncset.s32 @!p0 $0xFFFFF086;
	s6 =	sadd.s32 @!p0 s3, s7;
	s7 =	simm.s32 @!p0 $0x108  }
0x21: {  	s3 =	sadd.s32 s3, s9;
	s6 =	sadd.s32 @!p0 $0x88, s6;
	s7 =	simm.s32 @p2 $0x1082  }
0x22: {  	[simem:s7], [sflag:s8] =	dma.local @!p0 [hbm:s6], $0xF7A  }
0x23: {  	s9 =	sor.u32 $0xD0000000, s2;
	s6 =	simm.s32 $0x108;
	_ =	swait.ge @!p0 [sflag:s8], $0x0  }
0x24: {  	s3 =	sadd.s32 $0x88, s3;
	s6 =	simm.s32 @!p1 $0x1082;
	[sflag:s4] =	ssyncset.s32 $0xFFFFF086  }
0x25: {  	[simem:s6], [sflag:s4] =	dma.local [hbm:s3], $0xF7A  }
0x26: {  	[smem:$0x3F96] =	sst s1;
	(tag) =	ssettag s2;
	_ =	strace s9  }
0x27: {  	s1 =	sld [smem:$0x3FA6]  }
0x28: {  	s2 =	sld [smem:$0x3FA7]  }
0x29: {  	s4 =	sld [smem:$0x3FA9]  }
0x2a: {  	p0 =	seq.s32 s5, $0x0;
	s5 =	sld [smem:$0x3FAA]  }
0x2b: {  	s6 =	sld [smem:$0x3FAB]  }
0x2c: {  	s7 =	sld [smem:$0x3FAC]  }
0x2d: {  	s3 =	simm.s32 $0x108;
	s8 =	sld [smem:$0x3FAD]  }
0x2e: {  	s3 =	simm.s32 @!p0 $0x1082;
	s9 =	sld [smem:$0x3FAE]  }
0x2f: {  	lr =	sadd.s32 s0, s3;
	s0 =	sld [smem:$0x3FA5]  }
0x30: {  	s3 =	sld [smem:$0x3FA8]  }
0x31: {  	[smem:$0x3FB1] =	sst s10  }
0x32: {  	s10 =	sld [smem:$0x3FAF];
	_ =	sdelay $0x3  }
0x33: {  	p0 =	seq.s32 s10, $0x1;
	s10 =	sld [smem:$0x3FB1];
	_ =	sdelay $0x3  }
0x34: {  	[smem:$0x3FB1] =	sst s10  }
0x35: {  	s10 =	sld [smem:$0x3FB0];
	_ =	sdelay $0x3  }
0x36: {  	p1 =	seq.s32 s10, $0x1;
	s10 =	sld [smem:$0x3FB1];
	_ =	sdelay $0x3  }
0x37: {  	[smem:$0x3FB1] =	sst s10  }
0x38: {  	s10 =	sld [smem:$0x3FB2]  }
0x39: {  	_ = 	snop;
	(pc) =	sbr.ind lr, $3  }
0x3a: {  	_ = 	snop  }
0x3b: {  	_ = 	snop  }
0x3c: {  	p2 =	seq.s32 s10, $0x1;
	s10 =	sld [smem:$0x3FB1]  }
0x3d: {  	_ =	shalt  }
0x3e: {  	_ =	shalt  }
0x3f: {  	_ =	shalt  }
0x40: {  	_ =	shalt  }
0x41: {  	_ =	shalt  }
0x42: {  	_ =	shalt  }
0x43: {  	_ =	shalt  }
0x44: {  	_ =	shalt  }
0x45: {  	_ =	shalt  }
0x46: {  	_ =	shalt  }
0x47: {  	_ =	shalt  }
0x48: {  	_ =	shalt  }
0x49: {  	_ =	shalt  }
0x4a: {  	_ =	shalt  }
0x4b: {  	_ =	shalt  }
0x4c: {  	_ =	shalt  }
0x4d: {  	_ =	shalt  }
0x4e: {  	_ =	shalt  }
0x4f: {  	_ =	shalt  }
0x50: {  	_ =	shalt  }
0x51: {  	_ =	shalt  }
0x52: {  	_ =	shalt  }
0x53: {  	_ =	shalt  }
0x54: {  	_ =	shalt  }
0x55: {  	_ =	shalt  }
0x56: {  	_ =	shalt  }
0x57: {  	_ =	shalt  }
0x58: {  	_ =	shalt  }
0x59: {  	_ =	shalt  }
0x5a: {  	_ =	shalt  }
0x5b: {  	_ =	shalt  }
0x5c: {  	_ =	shalt  }
0x5d: {  	_ =	shalt  }
0x5e: {  	_ =	shalt  }
0x5f: {  	_ =	shalt  }
0x60: {  	_ =	shalt  }
0x61: {  	_ =	shalt  }
0x62: {  	_ =	shalt  }
0x63: {  	_ =	shalt  }
0x64: {  	_ =	shalt  }
0x65: {  	_ =	shalt  }
0x66: {  	_ =	shalt  }
0x67: {  	_ =	shalt  }
0x68: {  	_ =	shalt  }
0x69: {  	_ =	shalt  }
0x6a: {  	_ =	shalt  }
0x6b: {  	_ =	shalt  }
0x6c: {  	_ =	shalt  }
0x6d: {  	_ =	shalt  }
0x6e: {  	_ =	shalt  }
0x6f: {  	_ =	shalt  }
0x70: {  	_ =	shalt  }
0x71: {  	_ =	shalt  }
0x72: {  	_ =	shalt  }
0x73: {  	_ =	shalt  }
0x74: {  	_ =	shalt  }
0x75: {  	_ =	shalt  }
0x76: {  	_ =	shalt  }
0x77: {  	_ =	shalt  }
0x78: {  	_ =	shalt  }
0x79: {  	_ =	shalt  }
0x7a: {  	_ =	shalt  }
0x7b: {  	_ =	shalt  }
0x7c: {  	_ =	shalt  }
0x7d: {  	_ =	shalt  }
0x7e: {  	_ =	shalt  }
0x7f: {  	_ =	shalt  }
0x80: {  	_ =	shalt  }
0x81: {  	_ =	shalt  }
0x82: {  	_ =	shalt  }
0x83: {  	_ =	shalt  }
0x84: {  	_ =	shalt  }
0x85: {  	_ =	shalt  }
0x86: {  	_ =	shalt  }
0x87: {  	_ =	shalt  }
.Lfunc_end0:
.L_simem_size_0:
called_computation.2_lowered:
.L_overlay_start_0:
0x88: {  	s2 =	sld [smem:$0x3FD9]  }
0x89: {  	s3 =	sld [smem:$0x3FFE];
	_ =	sdelay $0x1  }
0x8a: {  	s1 =	srdreg.scid  }
0x8b: {  	s0 =	sand.u32 $0x1, s1  }
0x8c: {  	s16 =	sshll.u32 s0, $0xA;
	s2 =	sadd.s32 s3, s2  }
0x8d: {  	s2 =	sadd.s32 s2, s16  }
0x8e: {  	[smem:$0x3FBD] =	sst s2  }
0x8f: {  	_ = 	snop  }
0x90: {  	(tm) =	ssettm $0x1  }
0x91: {  	s17 =	sld [smem:$0x3FFB];
	_ =	sdelay $0x3  }
0x92: {  	_ =	strace s17  }
0x93: {  	s2 =	sld [smem:$0x3FFC];
	_ =	sdelay $0x3  }
0x94: {  	_ =	strace s2  }
0x95: {  	s2 =	sld [smem:$0x3FFD];
	_ =	sdelay $0x3  }
0x96: {  	_ =	strace s2  }
0x97: {  	_ =	strace $0x8FFFFFFF  }
0x98: {  	s18 =	sld [smem:$0x3FDB];
	_ =	sdelay $0x1  }
0x99: {  	s19 =	simm.s32 $_scs_section_size  }
0x9a: {  	s4 =	simm.s32 $_size__tile_overlayer_lowered;
	s5 =	simm.s32 $_tile_overlayer_lowered  }
0x9b: {  	s22 =	simm.s32 $0x1BFF;
	s21 =	sshll.u32 s5, $0x1;
	s2 =	sadd.s32 s19, s18  }
0x9c: {  	s6 =	simm.s32 $0x0;
	s20 =	sshll.u32 s4, $0x1;
	s4 =	sadd.s32 s21, s2  }
0x9d: {  	[timem:s6], [sflag:s22] =	dma.local [hbm:s4], s20  }
0x9e: {  	_ =	swait.ge [sflag:s22], s20  }
0x9f: {  	s3 =	ssub.s32 $0x0, s20;
	[sflag:s22] =	ssyncset.done $0x0  }
0xa0: {  	[sflag:s22] =	ssyncadd.s32 s3;
	_ =	sdelay $0x1  }
0xa1: {  	s23 =	simm.s32 $0x1B8B  }
0xa2: {  	_ =	swait.ge [sflag:s23], $0x1  }
0xa3: {  	[sflag:s23] =	ssyncset.done $0x0  }
0xa4: {  	s25 =	simm.s32 $0x1B8E;
	s24 =	sld [smem:$0x3FFE];
	[sflag:s23] =	ssyncadd.s32 $0xFFFFFFFF  }
0xa5: {  	s26 =	simm.s32 $execute0_lowered;
	[smem:$0x3FD2] =	sst s25  }
0xa6: {  	s4 =	sshll.u32 s26, $0x1;
	_ =	strace $0x8000004C;
	[dreg:$0x1] =	wrdreg $0xFFFFFFFF  }
0xa7: {  	s28 =	simm.s32 $_size_execute0_lowered;
	s2 =	sadd.s32 s2, s4;
	[dreg:$0x0] =	wrdreg $0x0  }
0xa8: {  	s4 =	sshll.u32 s28, $0x1;
	[dreg:$0x2] =	wrdreg s2  }
0xa9: {  	[dreg:$0x3] =	wrdreg s4  }
0xaa: {  	[dreg:$0x4] =	wrdreg $0xC0  }
0xab: {  	_ =	task [dreg:s6], $0x5FFFF  }
0xac: {  	[dreg:$0x1] =	wrdreg $0xFFFFFFFF  }
0xad: {  	[dreg:$0x0] =	wrdreg $0x60  }
0xae: {  	[dreg:$0x2] =	wrdreg s24  }
0xaf: {  	[dreg:$0x3] =	wrdreg $0x29000  }
0xb0: {  	[dreg:$0x4] =	wrdreg $0x9  }
0xb1: {  	_ =	task.clear_ibuf [dreg:s6], $0x5FFFF;
	_ =	strace $0x9000004C  }
0xb2: {  	s29 =	simm.s32 $0x9;
	_ =	strace $0x8000004E  }
0xb3: {  	_ =	swait.ge [sflag:s29], $0x1  }
0xb4: {  	[sflag:s29] =	ssyncadd.s32 $0xFFFFFFFF  }
0xb5: {  	_ =	strace $0x9000004E  }
0xb6: {  	_ =	sfence  }
0xb7: {  	s30 =	sld [smem:$0x0];
	_ =	sdelay $0x2  }
0xb8: {  	s31 =	sshll.u32 s1, $0xD;
	s1 =	sshrl.u32 s1, $0x2  }
0xb9: {  	s3 =	sand.u32 $0x4000, s31;
	s1 =	sadd.s32 s1, s30  }
0xba: {  	s0 =	sor.u32 s3, s0;
	s1 =	sshll.u32 s1, $0x11  }
0xbb: {  	s0 =	sor.u32 s1, s0  }
0xbc: {  	s0 =	sadd.s32 $0x8F2B, s0  }
0xbd: {  	[sflag:s0] =	ssyncadd.remote.s32 $0x1  }
0xbe: {  	_ =	sfence.sel $0xFFFF  }
0xbf: {  	[dreg:$0x0] =	wrdreg $0xFFFFFFFF;
	(pc) =	sbr.abs _section_cstart, $3  }
0xc0: {  	[dreg:$0x1] =	wrdreg $0xFFFFFFFF  }
0xc1: {  	_ =	task.clear_ibuf [dreg:s6], $0x2FFFF;
	_ =	strace $0x9FFFFFFF  }
0xc2: {  	(tm) =	ssettm $0x7FFFFFFF  }
0xc3: {  	_ =	shalt  }
tec
execute0_lowered:
.L_overlay_start_1:
0x0: {  	(tag) =	ssettag $0x1  }
0x1: {  	s5 =	rddreg [dreg:$0x0]  }
0x2: {  	s0 =	srdreg.scid;
	s2 =	rddreg [dreg:$0x1]  }
0x3: {  	s1 =	rddreg [dreg:$0x2];
	s3 =	simm.s32 $0x0;
	s6 =	sand.u32 $0x1, s0  }
0x4: {  	s13 =	simm.s32 $0x80;
	s0 =	stileid.u32;
	s4 =	smul.u32 $0x27100, s6  }
0x5: {  	s14 =	simm.s32 $0x50;
	s15 =	simm.s32 $0x100;
	s7 =	smul.u32 $0x2710, s0  }
0x6: {  	s16 =	simm.s32 $0x1;
	s17 =	simm.s32 $0x0;
	s28 =	smul.u32 $0x278, s0  }
0x7: {  	[smem:$0x7FF] =	sst s3;
	s9 =	smul.u32 $0x2710, s6;
	s6 =	ssub.s32 $0x2, s6  }
0x8: {  	_ =	strace $0x8000004D;
	s31 =	sshll.u32 s0, $0x6;
	s11 =	sshrl.u32 s6, $0x1  }
0x9: {  	s4 =	sadd.s32 s7, s4;
	s7 =	smin.u32 s28, $0x2498;
	s11 =	ssub.s32 s6, s11  }
0xa: {  	s6 =	sor.u32 $0x1C02, s31;
	s8 =	sshrl.u32 s4, $0x3;
	s4 =	sadd.s32 $0x3E000, s5  }
0xb: {  	s29 =	sshll.u32 s7, $0x4;
	s9 =	sadd.s32 s9, s7;
	s30 =	sshll.u32 s7, $0x7  }
0xc: {  	s10 =	sadd.s32 s8, s5;
	s8 =	sadd.s32 s29, s5;
	s9 =	sshll.u32 s9, $0x4  }
0xd: {  	s12 =	sadd.s32 s30, s2;
	s9 =	sadd.s32 s9, s5;
	s5 =	sadd.s32 $0x16E00, s8  }
0xe: {  	s8 =	smax.u32 s11, $0x1;
	s11 =	sshrl.u32 s12, $0x3;
	s12 =	simm.s32 $0x2  }
0xf: {  	s7 =	sadd.s32 $0x65200, s9;
	s9 =	sadd.s32 $0x3200, s10;
	s10 =	sadd.s32 $0xD000, s10  }
.LBB2_1:
0x10: {  	[spmem:s11], [sflag:s6] =	dma.local [hbm:s5], $0x2780  }
0x11: {  	_ =	swait.ge [sflag:s12], $0x2780  }
0x12: {  	[sflag:s12] =	ssyncset.done $0x0  }
0x13: {  	[sflag:s12] =	ssyncadd.s32 $0xFFFFD880  }
0x14: {  	s18 =	sadd.s32 $0x0, s10;
	[bflag:$0x0] =	sbarrier.arrive $0xFFFF  }
0x15: {  	[tilespmem:s3], [sflag:$0x2] =	stream.linear.gather [hbm4b:s18+s3], $0x50, $0x38;
	[tilespmem:$0x16180] =	vst v63  }
0x16: {  	_ =	swait.ge [sflag:s12], $0x50  }
0x17: {  	[sflag:s12] =	ssyncset.done $0x0  }
0x18: {  	s31 =	sadd.s32 $0x0, s9;
	[sflag:s12] =	ssyncadd.s32 $0xFFFFFFB0  }
0x19: {  	[tilespmem:s13], [sflag:$0x2] =	stream.linear.gather [hbm4b:s31+s3], $0x50, $0x38;
	[tilespmem:$0x16180] =	vst v63  }
0x1a: {  	_ =	swait.ge [sflag:s12], $0x50  }
0x1b: {  	[sflag:s12] =	ssyncset.done $0x0  }
0x1c: {  	[sflag:s12] =	ssyncadd.s32 $0xFFFFFFB0  }
0x1d: {  	[tilespmem:s15], [sflag:$0x1] =	stream.indirect.gather [hbm4b:s4+s14], $0x80, s3, s14, $0xb8;
	[tilespmem:$0x16180] =	vst v63  }
0x1e: {  	_ =	swait.ge [sflag:s16], $0x2800  }
0x1f: {  	[sflag:s16] =	ssyncset.done $0x0  }
0x20: {  	[sflag:s16] =	ssyncadd.s32 $0xFFFFD800  }
0x21: {  	[spmem:s2] =	stream.indirect.scatter.add.f32 [tilespmem:s15], [sflag:$0x2], $0x80, s13, s14, $0xb8;
	[tilespmem:$0x16180] =	vst v63  }
0x22: {  	_ =	swait.ge [sflag:s12], $0x2800  }
0x23: {  	s19 =	simm.s32 $0x14;
	s18 =	simm.s32 $0xA;
	[sflag:s12] =	ssyncset.done $0x0  }
.LBB2_2:
0x24: {  	s20 =	sadd.s32 s18, s10  }
0x25: {  	[sflag:s12] =	ssyncadd.s32 $0xFFFFD800;
	s21 =	smov.u32 s19;
	s22 =	sadd.s32 $0xA, s19  }
0x26: {  	[tilespmem:s3], [sflag:$0x2] =	stream.linear.gather [hbm4b:s20+s3], $0x50, $0x38;
	[tilespmem:$0x16180] =	vst v63  }
0x27: {  	p0 =	sne.s32 s19, $0x4D8;
	_ =	swait.ge [sflag:s12], $0x50  }
0x28: {  	[sflag:s12] =	ssyncset.done $0x0  }
0x29: {  	s19 =	sadd.s32 s18, s9;
	s18 =	smov.u32 s21;
	[sflag:s12] =	ssyncadd.s32 $0xFFFFFFB0  }
0x2a: {  	[tilespmem:s13], [sflag:$0x2] =	stream.linear.gather [hbm4b:s19+s3], $0x50, $0x38;
	[tilespmem:$0x16180] =	vst v63  }
0x2b: {  	_ =	swait.ge [sflag:s12], $0x50  }
0x2c: {  	[sflag:s12] =	ssyncset.done $0x0  }
0x2d: {  	[sflag:s12] =	ssyncadd.s32 $0xFFFFFFB0  }
0x2e: {  	[tilespmem:s15], [sflag:$0x1] =	stream.indirect.gather [hbm4b:s4+s14], $0x80, s3, s14, $0xb8;
	[tilespmem:$0x16180] =	vst v63  }
0x2f: {  	_ =	swait.ge [sflag:s16], $0x2800  }
.Ltmp0:
0x30: {  	[sflag:s16] =	ssyncset.done $0x0;
	(pc) =	sbr.rel @p0 .LBB2_2-.Ltmp0, $4  }
0x31: {  	[sflag:s16] =	ssyncadd.s32 $0xFFFFD800  }
0x32: {  	[spmem:s2] =	stream.indirect.scatter.add.f32 [tilespmem:s15], [sflag:$0x2], $0x80, s13, s14, $0xb8;
	[tilespmem:$0x16180] =	vst v63  }
0x33: {  	_ =	swait.ge [sflag:s12], $0x2800  }
0x34: {  	s19 =	smov.u32 s22;
	[sflag:s12] =	ssyncset.done $0x0  }
0x35: {  	s19 =	sadd.s32 s18, s10;
	[sflag:s12] =	ssyncadd.s32 $0xFFFFD800  }
0x36: {  	[tilespmem:s3], [sflag:$0x2] =	stream.linear.gather [hbm4b:s19+s3], $0x50, $0x38;
	[tilespmem:$0x16180] =	vst v63  }
0x37: {  	_ =	swait.ge [sflag:s12], $0x50  }
0x38: {  	[sflag:s12] =	ssyncset.done $0x0  }
0x39: {  	s31 =	sadd.s32 s18, s9;
	[sflag:s12] =	ssyncadd.s32 $0xFFFFFFB0  }
0x3a: {  	[tilespmem:s13], [sflag:$0x2] =	stream.linear.gather [hbm4b:s31+s3], $0x50, $0x38;
	[tilespmem:$0x16180] =	vst v63  }
0x3b: {  	_ =	swait.ge [sflag:s12], $0x50  }
0x3c: {  	[sflag:s12] =	ssyncset.done $0x0  }
0x3d: {  	[sflag:s12] =	ssyncadd.s32 $0xFFFFFFB0  }
0x3e: {  	[tilespmem:s15], [sflag:$0x1] =	stream.indirect.gather [hbm4b:s4+s14], $0x80, s3, s14, $0xb8;
	[tilespmem:$0x16180] =	vst v63  }
0x3f: {  	_ =	swait.ge [sflag:s16], $0x2800  }
0x40: {  	[sflag:s16] =	ssyncset.done $0x0  }
0x41: {  	[sflag:s16] =	ssyncadd.s32 $0xFFFFD800  }
0x42: {  	[spmem:s2] =	stream.indirect.scatter.add.f32 [tilespmem:s15], [sflag:$0x2], $0x80, s13, s14, $0xb8;
	[tilespmem:$0x16180] =	vst v63  }
0x43: {  	_ =	swait.ge [sflag:s12], $0x2800  }
0x44: {  	s17 =	sadd.s32 $0x1, s17;
	[sflag:s12] =	ssyncset.done $0x0  }
0x45: {  	p0 =	sne.s32 s17, s8;
	[sflag:s12] =	ssyncadd.s32 $0xFFFFD800  }
.Ltmp1:
0x46: {  	[bflag:$0x0] =	sbarrier.arrive $0xFFFF;
	(pc) =	sbr.rel @p0 .LBB2_1-.Ltmp1, $4  }
0x47: {  	[hbm:s7], [sflag:s6] =	dma.local [spmem:s11], $0x2780  }
0x48: {  	_ =	swait.ge [sflag:s12], $0x2780  }
0x49: {  	[sflag:s12] =	ssyncset.done $0x0  }
0x4a: {  	[sflag:s12] =	ssyncadd.s32 $0xFFFFD880  }
0x4b: {  	_ =	sfence.sel $0x180000  }
0x4c: {  	[bflag:$0x0] =	sbarrier.arrive $0xFFFF  }
0x4d: {  	p0 =	sne.s32 s0, $0x0;
	_ =	strace $0x9000004D  }
0x4e: {  	s0 =	sadd.s32 @!p0 $0x100000, s1;
	[bflag:$0x2] =	sbarrier.arrive $0xFFFF  }
0x4f: {  	[sflag:s0] =	ssyncadd.tile.s32 @!p0 $0x1;
	_ =	shalt  }
.Lfunc_end2:
_tile_overlayer_lowered:
.L_overlay_start_2:
0x50: {  	(tag) =	ssettag $0x2  }
0x51: {  	s0 =	rddreg [dreg:$0x0];
	s2 =	stileid.u32  }
0x52: {  	s1 =	rddreg [dreg:$0x1];
	p0 =	sne.s32 s2, $0x0  }
0x53: {  	s3 =	rddreg [dreg:$0x2];
	[bflag:$0x3] =	sbarrier.arrive $0xFFFF;
	s2 =	simm.s32 @!p0 $0x1C02  }
0x54: {  	[timem:s3], [sflag:s2] =	dma.local @!p0 [hbm:s0], s1  }
0x55: {  	s0 =	simm.s32 @!p0 $0x2  }
0x56: {  	_ =	swait.ge @!p0 [sflag:s0], s1  }
0x57: {  	s1 =	ssub.s32 @!p0 $0x0, s1;
	[sflag:s0] =	ssyncset.done @!p0 $0x0  }
0x58: {  	[sflag:s0] =	ssyncadd.s32 @!p0 s1  }
0x59: {  	[bflag:$0x3] =	sbarrier.arrive $0xFFFF  }
0x5a: {  	_ =	shalt  }

// kernel: kernel.19.cloned.1.call-start
scs
__scs_entry_jumppad:
0x0: {  	(pc) =	sbr.rel $0x88, $3  }
0x1: {  	(tag) =	ssettag $0x0;
	lr =	simm.s32 $0x1  }
0x2: {  	[smem:$0x3F96] =	sst lr;
	_ =	strace $0xD0000000  }
0x3: {  	_ = 	snop  }
0x4: {  	_ = 	snop  }
0x5: {  	_ = 	snop  }
0x6: {  	_ = 	snop  }
0x7: {  	_ = 	snop  }
__scs_overlays_trampoline_lowered:
0x8: {  	[smem:$0x3FA5] =	sst s0  }
0x9: {  	[smem:$0x3FA6] =	sst s1  }
0xa: {  	[smem:$0x3FA7] =	sst s2  }
0xb: {  	[smem:$0x3FA8] =	sst s3  }
0xc: {  	[smem:$0x3FA9] =	sst s4  }
0xd: {  	[smem:$0x3FAA] =	sst s5  }
0xe: {  	[smem:$0x3FAB] =	sst s6  }
0xf: {  	[smem:$0x3FAC] =	sst s7  }
0x10: {  	[smem:$0x3FAD] =	sst s8  }
0x11: {  	[smem:$0x3FAE] =	sst s9;
	s0 =	simm.s32 @!p0 $0x0  }
0x12: {  	s1 =	sld [smem:$0x3F94];
	s0 =	simm.s32 @p0 $0x1  }
0x13: {  	[smem:$0x3FAF] =	sst s0;
	s0 =	simm.s32 @!p1 $0x0  }
0x14: {  	s2 =	sld [smem:$0x3F93];
	s0 =	simm.s32 @p1 $0x1  }
0x15: {  	[smem:$0x3FB0] =	sst s0;
	s0 =	simm.s32 @!p2 $0x0  }
0x16: {  	s3 =	sld [smem:$0x3FDB];
	s0 =	simm.s32 @p2 $0x1  }
0x17: {  	s4 =	simm.s32 $0x1BF5;
	[smem:$0x3FB2] =	sst s0  }
0x18: {  	s0 =	sld [smem:$0x3F95];
	_ =	swait.ge [sflag:s4], $0x0  }
0x19: {  	s7 =	sld [smem:$0x3F96]  }
0x1a: {  	s8 =	sadd.s32 $0xFFFFE003, lr  }
0x1b: {  	s9 =	sadd.s32 $0xFFFFFEF7, lr;
	s5 =	simm.s32 $0xFFFFFFFF;
	p2 =	slt.u32 s8, $0xFFFFF086  }
0x1c: {  	p1 =	slt.u32 s9, $0xF7A;
	s5 =	simm.s32 @!p2 $0x0  }
0x1d: {  	s5 =	simm.s32 @p1 $0x1;
	p0 =	seq.s32 s7, s2  }
0x1e: {  	s7 =	smul.u32 @!p0 $0xF7A, s2;
	p2 =	seq.s32 @!p0 s5, $0x0  }
0x1f: {  	s9 =	smul.u32 $0xF7A, s1;
	s8 =	simm.s32 @!p0 $0x1BF5;
	p2 =	por !p2, p0  }
0x20: {  	[sflag:s8] =	ssyncset.s32 @!p0 $0xFFFFF086;
	s6 =	sadd.s32 @!p0 s3, s7;
	s7 =	simm.s32 @!p0 $0x108  }
0x21: {  	s3 =	sadd.s32 s3, s9;
	s6 =	sadd.s32 @!p0 $0x88, s6;
	s7 =	simm.s32 @p2 $0x1082  }
0x22: {  	[simem:s7], [sflag:s8] =	dma.local @!p0 [hbm:s6], $0xF7A  }
0x23: {  	s9 =	sor.u32 $0xD0000000, s2;
	s6 =	simm.s32 $0x108;
	_ =	swait.ge @!p0 [sflag:s8], $0x0  }
0x24: {  	s3 =	sadd.s32 $0x88, s3;
	s6 =	simm.s32 @!p1 $0x1082;
	[sflag:s4] =	ssyncset.s32 $0xFFFFF086  }
0x25: {  	[simem:s6], [sflag:s4] =	dma.local [hbm:s3], $0xF7A  }
0x26: {  	[smem:$0x3F96] =	sst s1;
	(tag) =	ssettag s2;
	_ =	strace s9  }
0x27: {  	s1 =	sld [smem:$0x3FA6]  }
0x28: {  	s2 =	sld [smem:$0x3FA7]  }
0x29: {  	s4 =	sld [smem:$0x3FA9]  }
0x2a: {  	p0 =	seq.s32 s5, $0x0;
	s5 =	sld [smem:$0x3FAA]  }
0x2b: {  	s6 =	sld [smem:$0x3FAB]  }
0x2c: {  	s7 =	sld [smem:$0x3FAC]  }
0x2d: {  	s3 =	simm.s32 $0x108;
	s8 =	sld [smem:$0x3FAD]  }
0x2e: {  	s3 =	simm.s32 @!p0 $0x1082;
	s9 =	sld [smem:$0x3FAE]  }
0x2f: {  	lr =	sadd.s32 s0, s3;
	s0 =	sld [smem:$0x3FA5]  }
0x30: {  	s3 =	sld [smem:$0x3FA8]  }
0x31: {  	[smem:$0x3FB1] =	sst s10  }
0x32: {  	s10 =	sld [smem:$0x3FAF];
	_ =	sdelay $0x3  }
0x33: {  	p0 =	seq.s32 s10, $0x1;
	s10 =	sld [smem:$0x3FB1];
	_ =	sdelay $0x3  }
0x34: {  	[smem:$0x3FB1] =	sst s10  }
0x35: {  	s10 =	sld [smem:$0x3FB0];
	_ =	sdelay $0x3  }
0x36: {  	p1 =	seq.s32 s10, $0x1;
	s10 =	sld [smem:$0x3FB1];
	_ =	sdelay $0x3  }
0x37: {  	[smem:$0x3FB1] =	sst s10  }
0x38: {  	s10 =	sld [smem:$0x3FB2]  }
0x39: {  	_ = 	snop;
	(pc) =	sbr.ind lr, $3  }
0x3a: {  	_ = 	snop  }
0x3b: {  	_ = 	snop  }
0x3c: {  	p2 =	seq.s32 s10, $0x1;
	s10 =	sld [smem:$0x3FB1]  }
0x3d: {  	_ =	shalt  }
0x3e: {  	_ =	shalt  }
0x3f: {  	_ =	shalt  }
0x40: {  	_ =	shalt  }
0x41: {  	_ =	shalt  }
0x42: {  	_ =	shalt  }
0x43: {  	_ =	shalt  }
0x44: {  	_ =	shalt  }
0x45: {  	_ =	shalt  }
0x46: {  	_ =	shalt  }
0x47: {  	_ =	shalt  }
0x48: {  	_ =	shalt  }
0x49: {  	_ =	shalt  }
0x4a: {  	_ =	shalt  }
0x4b: {  	_ =	shalt  }
0x4c: {  	_ =	shalt  }
0x4d: {  	_ =	shalt  }
0x4e: {  	_ =	shalt  }
0x4f: {  	_ =	shalt  }
0x50: {  	_ =	shalt  }
0x51: {  	_ =	shalt  }
0x52: {  	_ =	shalt  }
0x53: {  	_ =	shalt  }
0x54: {  	_ =	shalt  }
0x55: {  	_ =	shalt  }
0x56: {  	_ =	shalt  }
0x57: {  	_ =	shalt  }
0x58: {  	_ =	shalt  }
0x59: {  	_ =	shalt  }
0x5a: {  	_ =	shalt  }
0x5b: {  	_ =	shalt  }
0x5c: {  	_ =	shalt  }
0x5d: {  	_ =	shalt  }
0x5e: {  	_ =	shalt  }
0x5f: {  	_ =	shalt  }
0x60: {  	_ =	shalt  }
0x61: {  	_ =	shalt  }
0x62: {  	_ =	shalt  }
0x63: {  	_ =	shalt  }
0x64: {  	_ =	shalt  }
0x65: {  	_ =	shalt  }
0x66: {  	_ =	shalt  }
0x67: {  	_ =	shalt  }
0x68: {  	_ =	shalt  }
0x69: {  	_ =	shalt  }
0x6a: {  	_ =	shalt  }
0x6b: {  	_ =	shalt  }
0x6c: {  	_ =	shalt  }
0x6d: {  	_ =	shalt  }
0x6e: {  	_ =	shalt  }
0x6f: {  	_ =	shalt  }
0x70: {  	_ =	shalt  }
0x71: {  	_ =	shalt  }
0x72: {  	_ =	shalt  }
0x73: {  	_ =	shalt  }
0x74: {  	_ =	shalt  }
0x75: {  	_ =	shalt  }
0x76: {  	_ =	shalt  }
0x77: {  	_ =	shalt  }
0x78: {  	_ =	shalt  }
0x79: {  	_ =	shalt  }
0x7a: {  	_ =	shalt  }
0x7b: {  	_ =	shalt  }
0x7c: {  	_ =	shalt  }
0x7d: {  	_ =	shalt  }
0x7e: {  	_ =	shalt  }
0x7f: {  	_ =	shalt  }
0x80: {  	_ =	shalt  }
0x81: {  	_ =	shalt  }
0x82: {  	_ =	shalt  }
0x83: {  	_ =	shalt  }
0x84: {  	_ =	shalt  }
0x85: {  	_ =	shalt  }
0x86: {  	_ =	shalt  }
0x87: {  	_ =	shalt  }
.Lfunc_end0:
.L_simem_size_0:
called_computation.3_lowered:
.L_overlay_start_0:
0x88: {  	s2 =	sld [smem:$0x3FD9]  }
0x89: {  	s3 =	sld [smem:$0x3FFE];
	_ =	sdelay $0x1  }
0x8a: {  	s1 =	srdreg.scid  }
0x8b: {  	s0 =	sand.u32 $0x1, s1  }
0x8c: {  	s16 =	sshll.u32 s0, $0xA;
	s2 =	sadd.s32 s3, s2  }
0x8d: {  	s2 =	sadd.s32 s2, s16  }
0x8e: {  	[smem:$0x3FBD] =	sst s2  }
0x8f: {  	_ = 	snop  }
0x90: {  	(tm) =	ssettm $0x1  }
0x91: {  	s17 =	sld [smem:$0x3FFB];
	_ =	sdelay $0x3  }
0x92: {  	_ =	strace s17  }
0x93: {  	s2 =	sld [smem:$0x3FFC];
	_ =	sdelay $0x3  }
0x94: {  	_ =	strace s2  }
0x95: {  	s2 =	sld [smem:$0x3FFD];
	_ =	sdelay $0x3  }
0x96: {  	_ =	strace s2  }
0x97: {  	_ =	strace $0x8FFFFFFF  }
0x98: {  	s18 =	sld [smem:$0x3FDB];
	_ =	sdelay $0x1  }
0x99: {  	s19 =	simm.s32 $_scs_section_size  }
0x9a: {  	s4 =	simm.s32 $_size__tile_overlayer_lowered;
	s5 =	simm.s32 $_tile_overlayer_lowered  }
0x9b: {  	s22 =	simm.s32 $0x1BFF;
	s21 =	sshll.u32 s5, $0x1;
	s2 =	sadd.s32 s19, s18  }
0x9c: {  	s6 =	simm.s32 $0x0;
	s20 =	sshll.u32 s4, $0x1;
	s4 =	sadd.s32 s21, s2  }
0x9d: {  	[timem:s6], [sflag:s22] =	dma.local [hbm:s4], s20  }
0x9e: {  	_ =	swait.ge [sflag:s22], s20  }
0x9f: {  	s3 =	ssub.s32 $0x0, s20;
	[sflag:s22] =	ssyncset.done $0x0  }
0xa0: {  	[sflag:s22] =	ssyncadd.s32 s3;
	_ =	sdelay $0x1  }
0xa1: {  	s23 =	simm.s32 $0x1B8B  }
0xa2: {  	_ =	swait.ge [sflag:s23], $0x1  }
0xa3: {  	[sflag:s23] =	ssyncset.done $0x0  }
0xa4: {  	s25 =	simm.s32 $0x1B8E;
	s24 =	sld [smem:$0x3FFE];
	[sflag:s23] =	ssyncadd.s32 $0xFFFFFFFF  }
0xa5: {  	s26 =	simm.s32 $execute0_lowered;
	[smem:$0x3FD2] =	sst s25  }
0xa6: {  	s4 =	sshll.u32 s26, $0x1;
	_ =	strace $0x8000004F;
	[dreg:$0x1] =	wrdreg $0xFFFFFFFF  }
0xa7: {  	s28 =	simm.s32 $_size_execute0_lowered;
	s2 =	sadd.s32 s2, s4;
	[dreg:$0x0] =	wrdreg $0x0  }
0xa8: {  	s4 =	sshll.u32 s28, $0x1;
	[dreg:$0x2] =	wrdreg s2  }
0xa9: {  	[dreg:$0x3] =	wrdreg s4  }
0xaa: {  	[dreg:$0x4] =	wrdreg $0xC0  }
0xab: {  	_ =	task [dreg:s6], $0x5FFFF  }
0xac: {  	[dreg:$0x1] =	wrdreg $0xFFFFFFFF  }
0xad: {  	[dreg:$0x0] =	wrdreg $0x60  }
0xae: {  	[dreg:$0x2] =	wrdreg s24  }
0xaf: {  	[dreg:$0x3] =	wrdreg $0x29000  }
0xb0: {  	[dreg:$0x4] =	wrdreg $0x9  }
0xb1: {  	_ =	task.clear_ibuf [dreg:s6], $0x5FFFF;
	_ =	strace $0x9000004F  }
0xb2: {  	s29 =	simm.s32 $0x9;
	_ =	strace $0x80000051  }
0xb3: {  	_ =	swait.ge [sflag:s29], $0x1  }
0xb4: {  	[sflag:s29] =	ssyncadd.s32 $0xFFFFFFFF  }
0xb5: {  	_ =	strace $0x90000051  }
0xb6: {  	_ =	sfence  }
0xb7: {  	s30 =	sld [smem:$0x0];
	_ =	sdelay $0x2  }
0xb8: {  	s31 =	sshll.u32 s1, $0xD;
	s1 =	sshrl.u32 s1, $0x2  }
0xb9: {  	s3 =	sand.u32 $0x4000, s31;
	s1 =	sadd.s32 s1, s30  }
0xba: {  	s0 =	sor.u32 s3, s0;
	s1 =	sshll.u32 s1, $0x11  }
0xbb: {  	s0 =	sor.u32 s1, s0  }
0xbc: {  	s0 =	sadd.s32 $0x8F2B, s0  }
0xbd: {  	[sflag:s0] =	ssyncadd.remote.s32 $0x1  }
0xbe: {  	_ =	sfence.sel $0xFFFF  }
0xbf: {  	[dreg:$0x0] =	wrdreg $0xFFFFFFFF;
	(pc) =	sbr.abs _section_cstart, $3  }
0xc0: {  	[dreg:$0x1] =	wrdreg $0xFFFFFFFF  }
0xc1: {  	_ =	task.clear_ibuf [dreg:s6], $0x2FFFF;
	_ =	strace $0x9FFFFFFF  }
0xc2: {  	(tm) =	ssettm $0x7FFFFFFF  }
0xc3: {  	_ =	shalt  }
tec
execute0_lowered:
.L_overlay_start_1:
0x0: {  	(tag) =	ssettag $0x1  }
0x1: {  	s5 =	rddreg [dreg:$0x0]  }
0x2: {  	s0 =	srdreg.scid;
	s2 =	rddreg [dreg:$0x1]  }
0x3: {  	s1 =	rddreg [dreg:$0x2];
	s3 =	simm.s32 $0x0;
	s6 =	sand.u32 $0x1, s0  }
0x4: {  	s13 =	simm.s32 $0x80;
	s0 =	stileid.u32;
	s4 =	smul.u32 $0x27100, s6  }
0x5: {  	s14 =	simm.s32 $0x50;
	s15 =	simm.s32 $0x100;
	s7 =	smul.u32 $0x2710, s0  }
0x6: {  	s16 =	simm.s32 $0x1;
	s17 =	simm.s32 $0x0;
	s28 =	smul.u32 $0x278, s0  }
0x7: {  	[smem:$0x7FF] =	sst s3;
	s9 =	smul.u32 $0x2710, s6;
	s6 =	ssub.s32 $0x2, s6  }
0x8: {  	_ =	strace $0x80000050;
	s31 =	sshll.u32 s0, $0x6;
	s11 =	sshrl.u32 s6, $0x1  }
0x9: {  	s4 =	sadd.s32 s7, s4;
	s7 =	smin.u32 s28, $0x2498;
	s11 =	ssub.s32 s6, s11  }
0xa: {  	s6 =	sor.u32 $0x1C02, s31;
	s8 =	sshrl.u32 s4, $0x3;
	s4 =	sadd.s32 $0x3E000, s5  }
0xb: {  	s29 =	sshll.u32 s7, $0x4;
	s9 =	sadd.s32 s9, s7;
	s30 =	sshll.u32 s7, $0x7  }
0xc: {  	s10 =	sadd.s32 s8, s5;
	s8 =	sadd.s32 s29, s5;
	s9 =	sshll.u32 s9, $0x4  }
0xd: {  	s12 =	sadd.s32 s30, s2;
	s9 =	sadd.s32 s9, s5;
	s5 =	sadd.s32 $0x16E00, s8  }
0xe: {  	s8 =	smax.u32 s11, $0x1;
	s11 =	sshrl.u32 s12, $0x3;
	s12 =	simm.s32 $0x2  }
0xf: {  	s7 =	sadd.s32 $0x65200, s9;
	s9 =	sadd.s32 $0x3200, s10;
	s10 =	sadd.s32 $0xD000, s10  }
.LBB2_1:
0x10: {  	[spmem:s11], [sflag:s6] =	dma.local [hbm:s5], $0x2780  }
0x11: {  	_ =	swait.ge [sflag:s12], $0x2780  }
0x12: {  	[sflag:s12] =	ssyncset.done $0x0  }
0x13: {  	[sflag:s12] =	ssyncadd.s32 $0xFFFFD880  }
0x14: {  	s18 =	sadd.s32 $0x0, s10;
	[bflag:$0x0] =	sbarrier.arrive $0xFFFF  }
0x15: {  	[tilespmem:s3], [sflag:$0x2] =	stream.linear.gather [hbm4b:s18+s3], $0x50, $0x38;
	[tilespmem:$0x16180] =	vst v63  }
0x16: {  	_ =	swait.ge [sflag:s12], $0x50  }
0x17: {  	[sflag:s12] =	ssyncset.done $0x0  }
0x18: {  	s31 =	sadd.s32 $0x0, s9;
	[sflag:s12] =	ssyncadd.s32 $0xFFFFFFB0  }
0x19: {  	[tilespmem:s13], [sflag:$0x2] =	stream.linear.gather [hbm4b:s31+s3], $0x50, $0x38;
	[tilespmem:$0x16180] =	vst v63  }
0x1a: {  	_ =	swait.ge [sflag:s12], $0x50  }
0x1b: {  	[sflag:s12] =	ssyncset.done $0x0  }
0x1c: {  	[sflag:s12] =	ssyncadd.s32 $0xFFFFFFB0  }
0x1d: {  	[tilespmem:s15], [sflag:$0x1] =	stream.indirect.gather [hbm4b:s4+s14], $0x80, s3, s14, $0xb8;
	[tilespmem:$0x16180] =	vst v63  }
0x1e: {  	_ =	swait.ge [sflag:s16], $0x2800  }
0x1f: {  	[sflag:s16] =	ssyncset.done $0x0  }
0x20: {  	[sflag:s16] =	ssyncadd.s32 $0xFFFFD800  }
0x21: {  	[spmem:s2] =	stream.indirect.scatter.add.f32 [tilespmem:s15], [sflag:$0x2], $0x80, s13, s14, $0xb8;
	[tilespmem:$0x16180] =	vst v63  }
0x22: {  	_ =	swait.ge [sflag:s12], $0x2800  }
0x23: {  	s19 =	simm.s32 $0x14;
	s18 =	simm.s32 $0xA;
	[sflag:s12] =	ssyncset.done $0x0  }
.LBB2_2:
0x24: {  	s20 =	sadd.s32 s18, s10  }
0x25: {  	[sflag:s12] =	ssyncadd.s32 $0xFFFFD800;
	s21 =	smov.u32 s19;
	s22 =	sadd.s32 $0xA, s19  }
0x26: {  	[tilespmem:s3], [sflag:$0x2] =	stream.linear.gather [hbm4b:s20+s3], $0x50, $0x38;
	[tilespmem:$0x16180] =	vst v63  }
0x27: {  	p0 =	sne.s32 s19, $0x4D8;
	_ =	swait.ge [sflag:s12], $0x50  }
0x28: {  	[sflag:s12] =	ssyncset.done $0x0  }
0x29: {  	s19 =	sadd.s32 s18, s9;
	s18 =	smov.u32 s21;
	[sflag:s12] =	ssyncadd.s32 $0xFFFFFFB0  }
0x2a: {  	[tilespmem:s13], [sflag:$0x2] =	stream.linear.gather [hbm4b:s19+s3], $0x50, $0x38;
	[tilespmem:$0x16180] =	vst v63  }
0x2b: {  	_ =	swait.ge [sflag:s12], $0x50  }
0x2c: {  	[sflag:s12] =	ssyncset.done $0x0  }
0x2d: {  	[sflag:s12] =	ssyncadd.s32 $0xFFFFFFB0  }
0x2e: {  	[tilespmem:s15], [sflag:$0x1] =	stream.indirect.gather [hbm4b:s4+s14], $0x80, s3, s14, $0xb8;
	[tilespmem:$0x16180] =	vst v63  }
0x2f: {  	_ =	swait.ge [sflag:s16], $0x2800  }
.Ltmp0:
0x30: {  	[sflag:s16] =	ssyncset.done $0x0;
	(pc) =	sbr.rel @p0 .LBB2_2-.Ltmp0, $4  }
0x31: {  	[sflag:s16] =	ssyncadd.s32 $0xFFFFD800  }
0x32: {  	[spmem:s2] =	stream.indirect.scatter.add.f32 [tilespmem:s15], [sflag:$0x2], $0x80, s13, s14, $0xb8;
	[tilespmem:$0x16180] =	vst v63  }
0x33: {  	_ =	swait.ge [sflag:s12], $0x2800  }
0x34: {  	s19 =	smov.u32 s22;
	[sflag:s12] =	ssyncset.done $0x0  }
0x35: {  	s19 =	sadd.s32 s18, s10;
	[sflag:s12] =	ssyncadd.s32 $0xFFFFD800  }
0x36: {  	[tilespmem:s3], [sflag:$0x2] =	stream.linear.gather [hbm4b:s19+s3], $0x50, $0x38;
	[tilespmem:$0x16180] =	vst v63  }
0x37: {  	_ =	swait.ge [sflag:s12], $0x50  }
0x38: {  	[sflag:s12] =	ssyncset.done $0x0  }
0x39: {  	s31 =	sadd.s32 s18, s9;
	[sflag:s12] =	ssyncadd.s32 $0xFFFFFFB0  }
0x3a: {  	[tilespmem:s13], [sflag:$0x2] =	stream.linear.gather [hbm4b:s31+s3], $0x50, $0x38;
	[tilespmem:$0x16180] =	vst v63  }
0x3b: {  	_ =	swait.ge [sflag:s12], $0x50  }
0x3c: {  	[sflag:s12] =	ssyncset.done $0x0  }
0x3d: {  	[sflag:s12] =	ssyncadd.s32 $0xFFFFFFB0  }
0x3e: {  	[tilespmem:s15], [sflag:$0x1] =	stream.indirect.gather [hbm4b:s4+s14], $0x80, s3, s14, $0xb8;
	[tilespmem:$0x16180] =	vst v63  }
0x3f: {  	_ =	swait.ge [sflag:s16], $0x2800  }
0x40: {  	[sflag:s16] =	ssyncset.done $0x0  }
0x41: {  	[sflag:s16] =	ssyncadd.s32 $0xFFFFD800  }
0x42: {  	[spmem:s2] =	stream.indirect.scatter.add.f32 [tilespmem:s15], [sflag:$0x2], $0x80, s13, s14, $0xb8;
	[tilespmem:$0x16180] =	vst v63  }
0x43: {  	_ =	swait.ge [sflag:s12], $0x2800  }
0x44: {  	s17 =	sadd.s32 $0x1, s17;
	[sflag:s12] =	ssyncset.done $0x0  }
0x45: {  	p0 =	sne.s32 s17, s8;
	[sflag:s12] =	ssyncadd.s32 $0xFFFFD800  }
.Ltmp1:
0x46: {  	[bflag:$0x0] =	sbarrier.arrive $0xFFFF;
	(pc) =	sbr.rel @p0 .LBB2_1-.Ltmp1, $4  }
0x47: {  	[hbm:s7], [sflag:s6] =	dma.local [spmem:s11], $0x2780  }
0x48: {  	_ =	swait.ge [sflag:s12], $0x2780  }
0x49: {  	[sflag:s12] =	ssyncset.done $0x0  }
0x4a: {  	[sflag:s12] =	ssyncadd.s32 $0xFFFFD880  }
0x4b: {  	_ =	sfence.sel $0x180000  }
0x4c: {  	[bflag:$0x0] =	sbarrier.arrive $0xFFFF  }
0x4d: {  	p0 =	sne.s32 s0, $0x0;
	_ =	strace $0x90000050  }
0x4e: {  	s0 =	sadd.s32 @!p0 $0x100000, s1;
	[bflag:$0x2] =	sbarrier.arrive $0xFFFF  }
0x4f: {  	[sflag:s0] =	ssyncadd.tile.s32 @!p0 $0x1;
	_ =	shalt  }
.Lfunc_end2:
_tile_overlayer_lowered:
.L_overlay_start_2:
0x50: {  	(tag) =	ssettag $0x2  }
0x51: {  	s0 =	rddreg [dreg:$0x0];
	s2 =	stileid.u32  }
0x52: {  	s1 =	rddreg [dreg:$0x1];
	p0 =	sne.s32 s2, $0x0  }
0x53: {  	s3 =	rddreg [dreg:$0x2];
	[bflag:$0x3] =	sbarrier.arrive $0xFFFF;
	s2 =	simm.s32 @!p0 $0x1C02  }
0x54: {  	[timem:s3], [sflag:s2] =	dma.local @!p0 [hbm:s0], s1  }
0x55: {  	s0 =	simm.s32 @!p0 $0x2  }
0x56: {  	_ =	swait.ge @!p0 [sflag:s0], s1  }
0x57: {  	s1 =	ssub.s32 @!p0 $0x0, s1;
	[sflag:s0] =	ssyncset.done @!p0 $0x0  }
0x58: {  	[sflag:s0] =	ssyncadd.s32 @!p0 s1  }
0x59: {  	[bflag:$0x3] =	sbarrier.arrive $0xFFFF  }
0x5a: {  	_ =	shalt  }

</sc_bundles>
